<compile_context>
chip_gen: v7x
topology: tpu7x:2x2x1
jax: 0.10.2.dev20260603
libtpu: 0.0.44.dev20260713+nightly
codegen_flags: <defaults>
</compile_context>

<pallas_src>
import functools
import math

import numpy as np
import jax
import jax.numpy as jnp
from jax import lax
from jax.experimental import pallas as pl
from jax.experimental.pallas import tpu as pltpu
from jax.experimental.pallas import tpu_sc as plsc

VOCAB = 1000000
EMBED_DIM = 64
SEQ = 512
LANES = 16
BLK = 128
NBUF = 14


def _make_pe(max_seq_len, embed_dim):
    position = np.arange(0, max_seq_len, dtype=np.float32)[:, None]
    div_term = np.exp(
        np.arange(0, embed_dim, 2, dtype=np.float32) * (-math.log(10000.0) / embed_dim)
    )
    pe = np.zeros((max_seq_len, embed_dim), dtype=np.float32)
    pe[:, 0::2] = np.sin(position * div_term)
    pe[:, 1::2] = np.cos(position * div_term)
    return pe


_PE = _make_pe(SEQ, EMBED_DIM)


def kernel(token_ids, token_embed_weight):
    ids = token_ids.astype(jnp.int32)
    pe = jnp.asarray(_PE)
    table_t = token_embed_weight.T

    info = plsc.get_sparse_core_info()
    nc, ns = info.num_cores, info.num_subcores
    nw = nc * ns
    bpw = SEQ // nw

    mesh = plsc.VectorSubcoreMesh(core_axis_name="c", subcore_axis_name="s")

    @functools.partial(
        pl.kernel,
        mesh=mesh,
        out_type=jax.ShapeDtypeStruct((SEQ, EMBED_DIM), jnp.float32),
        scratch_types=[
            pltpu.VMEM((bpw,), jnp.int32),
            pltpu.VMEM((bpw, EMBED_DIM), jnp.float32),
            pltpu.VMEM((bpw, EMBED_DIM), jnp.float32),
            [pltpu.VMEM((EMBED_DIM, BLK), jnp.float32) for _ in range(NBUF)],
            pltpu.SemaphoreType.DMA,
            pltpu.SemaphoreType.DMA,
            pltpu.SemaphoreType.DMA,
        ],
        compiler_params=pltpu.CompilerParams(needs_layout_passes=False),
    )
    def emb_kernel(
        ids_hbm, table_hbm, pe_hbm, out_hbm,
        ids_v, pe_v, out_v, bufs, sem, sem_ids, sem_pe,
    ):
        wid = lax.axis_index("s") * nc + lax.axis_index("c")
        base = wid * bpw
        cp_ids = pltpu.async_copy(ids_hbm.at[pl.ds(base, bpw)], ids_v, sem_ids)
        cp_pe = pltpu.async_copy(pe_hbm.at[pl.ds(base, bpw)], pe_v, sem_pe)
        cp_ids.wait()
        idvec = ids_v[...]
        blocks = (idvec >> 7) << 7
        lanes = idvec & (BLK - 1)
        iota = lax.iota(jnp.int32, LANES)

        def fire(i):
            blk = pl.multiple_of(blocks[i], BLK)
            return pltpu.async_copy(
                table_hbm.at[:, pl.ds(blk, BLK)], bufs[i % NBUF], sem
            )

        cps = [None] * bpw
        for i in range(NBUF):
            cps[i] = fire(i)
        cp_pe.wait()
        for i in range(bpw):
            cps[i].wait()
            buf = bufs[i % NBUF]
            lane_b = jnp.broadcast_to(lanes[i], (LANES,))
            for j in range(EMBED_DIM // LANES):
                vals = plsc.load_gather(buf, [iota + (j * LANES), lane_b])
                sl = pl.ds(j * LANES, LANES)
                out_v[i, sl] = vals + pe_v[i, sl]
            if i + NBUF < bpw:
                cps[i + NBUF] = fire(i + NBUF)
        pltpu.sync_copy(out_v, out_hbm.at[pl.ds(base, bpw)])

    return emb_kernel(ids, table_t, pe)

# --- scband reference (transcript-rebuilt; emitter-appended) ---
"""Pipeline reference for scband-embedding-with-position-19602230739388 (READ-ONLY COPY).

The authoritative reference and input builder live on the scoring server;
editing this copy changes nothing except your own understanding.
"""

import jax, jax.numpy as jnp
import numpy as np
import math

VOCAB = 1000000
EMBED_DIM = 64
MAX_SEQ_LEN = 512


def make_pe(max_seq_len, embed_dim):
    position = np.arange(0, max_seq_len, dtype=np.float32)[:, None]
    div_term = np.exp(np.arange(0, embed_dim, 2, dtype=np.float32) * (-math.log(10000.0) / embed_dim))
    pe = np.zeros((max_seq_len, embed_dim), dtype=np.float32)
    pe[:, 0::2] = np.sin(position * div_term)
    pe[:, 1::2] = np.cos(position * div_term)
    return jnp.asarray(pe)


def setup_inputs(seed: int = 0) -> dict:
    key = jax.random.key(seed)
    k1, k2 = jax.random.split(key)
    token_ids = jax.random.randint(k1, (512,), 0, VOCAB, dtype=jnp.int64) if jax.config.read('jax_enable_x64') else jax.random.randint(k1, (512,), 0, VOCAB, dtype=jnp.int32)
    token_embed_weight = jax.random.normal(k2, (VOCAB, EMBED_DIM), dtype=jnp.float32)
    return {"token_ids": token_ids, "token_embed_weight": token_embed_weight}


def reference(token_ids, token_embed_weight):
    seq_len = token_ids.shape[0]
    pe = make_pe(MAX_SEQ_LEN, EMBED_DIM)
    token_vecs = jnp.take(token_embed_weight, token_ids, axis=0)
    return token_vecs + pe[:seq_len]

if __name__ == "__main__":
    import jax
    _d = setup_inputs()
    print(jax.jit(kernel)(*tuple(_d.values())))

</pallas_src>

<mosaic_0001>
#map = affine_map<(d0, d1) -> (0)>
#map1 = affine_map<(d0, d1) -> (0, 0)>
module attributes {stable_mosaic.version = 14 : i64} {
  func.func @emb_kernel(%arg0: i32, %arg1: i32, %arg2: memref<512xi32, #tpu.memory_space<hbm>>, %arg3: memref<64x1000000xf32, #tpu.memory_space<hbm>>, %arg4: memref<512x64xf32, #tpu.memory_space<hbm>>, %arg5: memref<512x64xf32, #tpu.memory_space<hbm>>, %arg6: memref<16xi32, #tpu.memory_space<vmem>>, %arg7: memref<16x64xf32, #tpu.memory_space<vmem>>, %arg8: memref<16x64xf32, #tpu.memory_space<vmem>>, %arg9: memref<64x128xf32, #tpu.memory_space<vmem>>, %arg10: memref<64x128xf32, #tpu.memory_space<vmem>>, %arg11: memref<64x128xf32, #tpu.memory_space<vmem>>, %arg12: memref<64x128xf32, #tpu.memory_space<vmem>>, %arg13: memref<64x128xf32, #tpu.memory_space<vmem>>, %arg14: memref<64x128xf32, #tpu.memory_space<vmem>>, %arg15: memref<64x128xf32, #tpu.memory_space<vmem>>, %arg16: memref<64x128xf32, #tpu.memory_space<vmem>>, %arg17: memref<64x128xf32, #tpu.memory_space<vmem>>, %arg18: memref<64x128xf32, #tpu.memory_space<vmem>>, %arg19: memref<64x128xf32, #tpu.memory_space<vmem>>, %arg20: memref<64x128xf32, #tpu.memory_space<vmem>>, %arg21: memref<64x128xf32, #tpu.memory_space<vmem>>, %arg22: memref<64x128xf32, #tpu.memory_space<vmem>>, %arg23: memref<!tpu.dma_semaphore, #tpu.memory_space<semaphore_mem>>, %arg24: memref<!tpu.dma_semaphore, #tpu.memory_space<semaphore_mem>>, %arg25: memref<!tpu.dma_semaphore, #tpu.memory_space<semaphore_mem>>) attributes {dimension_semantics = [#tpu.dimension_semantics<core_parallel>, #tpu.dimension_semantics<subcore_parallel>], iteration_bounds = array<i64: 2, 16>, scalar_prefetch = 0 : i64, scratch_operands = 20 : i64, tpu.core_type = #tpu.core_type<sc_vector_subcore>, window_params = [{transform_indices = #map}, {transform_indices = #map1}, {transform_indices = #map1}, {transform_indices = #map1}]} {
    %mul3A = arith.constant 2 : i32
    %mul3A_0 = arith.muli %arg1, %mul3A : i32
    %add3A = arith.addi %mul3A_0, %arg0 : i32
    %mul3A_1 = arith.constant 16 : i32
    %mul3A_2 = arith.muli %add3A, %mul3A_1 : i32
    %dma_start3A = tpu.memref_slice %arg2[%mul3A_2] : memref<512xi32, #tpu.memory_space<hbm>> -> memref<16xi32, #tpu.memory_space<hbm>>
    %dma_start3A_3 = tpu.memref_slice %arg2[%mul3A_2] : memref<512xi32, #tpu.memory_space<hbm>> -> memref<16xi32, #tpu.memory_space<hbm>>
    tpu.enqueue_dma source(%dma_start3A_3 : memref<16xi32, #tpu.memory_space<hbm>>) target(%arg6 : memref<16xi32, #tpu.memory_space<vmem>>) target_semaphore(%arg24 : memref<!tpu.dma_semaphore, #tpu.memory_space<semaphore_mem>>)
    %dma_start3A_4 = arith.constant 0 : i32
    %dma_start3A_5 = tpu.memref_slice %arg4[%mul3A_2, %dma_start3A_4] : memref<512x64xf32, #tpu.memory_space<hbm>> -> memref<16x64xf32, #tpu.memory_space<hbm>>
    %dma_start3A_6 = arith.constant 0 : i32
    %dma_start3A_7 = tpu.memref_slice %arg4[%mul3A_2, %dma_start3A_6] : memref<512x64xf32, #tpu.memory_space<hbm>> -> memref<16x64xf32, #tpu.memory_space<hbm>>
    tpu.enqueue_dma source(%dma_start3A_7 : memref<16x64xf32, #tpu.memory_space<hbm>>) target(%arg7 : memref<16x64xf32, #tpu.memory_space<vmem>>) target_semaphore(%arg25 : memref<!tpu.dma_semaphore, #tpu.memory_space<semaphore_mem>>)
    %dma_wait3A = tpu.memref_slice %arg2[%mul3A_2] : memref<512xi32, #tpu.memory_space<hbm>> -> memref<16xi32, #tpu.memory_space<hbm>>
    %dma_wait3A_8 = tpu.memref_slice %arg2[%mul3A_2] : memref<512xi32, #tpu.memory_space<hbm>> -> memref<16xi32, #tpu.memory_space<hbm>>
    tpu.wait_dma2 semaphore(%arg24 : memref<!tpu.dma_semaphore, #tpu.memory_space<semaphore_mem>>) src(%dma_wait3A_8 : memref<16xi32, #tpu.memory_space<hbm>>) dst(%arg6 : memref<16xi32, #tpu.memory_space<vmem>>)
    %get3A = arith.constant 0 : index
    %get3A_9 = tpu.vector_load %arg6[%get3A] {strides = array<i32>} : memref<16xi32, #tpu.memory_space<vmem>>, vector<16xi32>,
    %shift_right_arithmetic3A = arith.constant 7 : i32
    %shift_right_arithmetic3A_10 = vector.broadcast %shift_right_arithmetic3A : i32 to vector<16xi32>
    %shift_right_arithmetic3A_11 = arith.shrsi %get3A_9, %shift_right_arithmetic3A_10 : vector<16xi32>
    %shift_left3A = arith.constant 7 : i32
    %shift_left3A_12 = vector.broadcast %shift_left3A : i32 to vector<16xi32>
    %shift_left3A_13 = arith.shli %shift_right_arithmetic3A_11, %shift_left3A_12 : vector<16xi32>
    %and3A = arith.constant 127 : i32
    %and3A_14 = vector.broadcast %and3A : i32 to vector<16xi32>
    %and3A_15 = arith.andi %get3A_9, %and3A_14 : vector<16xi32>
    %iota3A = tpu.iota {dimensions = array<i32: 0>} : vector<16xi32>
    %slice3A = vector.extract_strided_slice %shift_left3A_13 {offsets = [0], sizes = [1], strides = [1]} : vector<16xi32> to vector<1xi32>
    %squeeze3A = vector.extract %slice3A[0] : i32 from vector<1xi32>
    %multiple_of3A = tpu.assume_multiple %squeeze3A, 128 : i32
    %dma_start3A_16 = arith.constant 0 : i32
    %dma_start3A_17 = tpu.memref_slice %arg3[%dma_start3A_16, %multiple_of3A] : memref<64x1000000xf32, #tpu.memory_space<hbm>> -> memref<64x128xf32, #tpu.memory_space<hbm>>
    %dma_start3A_18 = arith.constant 0 : i32
    %dma_start3A_19 = tpu.memref_slice %arg3[%dma_start3A_18, %multiple_of3A] : memref<64x1000000xf32, #tpu.memory_space<hbm>> -> memref<64x128xf32, #tpu.memory_space<hbm>>
    tpu.enqueue_dma source(%dma_start3A_19 : memref<64x128xf32, #tpu.memory_space<hbm>>) target(%arg9 : memref<64x128xf32, #tpu.memory_space<vmem>>) target_semaphore(%arg23 : memref<!tpu.dma_semaphore, #tpu.memory_space<semaphore_mem>>)
    %slice3A_20 = vector.extract_strided_slice %shift_left3A_13 {offsets = [1], sizes = [1], strides = [1]} : vector<16xi32> to vector<1xi32>
    %squeeze3A_21 = vector.extract %slice3A_20[0] : i32 from vector<1xi32>
    %multiple_of3A_22 = tpu.assume_multiple %squeeze3A_21, 128 : i32
    %dma_start3A_23 = arith.constant 0 : i32
    %dma_start3A_24 = tpu.memref_slice %arg3[%dma_start3A_23, %multiple_of3A_22] : memref<64x1000000xf32, #tpu.memory_space<hbm>> -> memref<64x128xf32, #tpu.memory_space<hbm>>
    %dma_start3A_25 = arith.constant 0 : i32
    %dma_start3A_26 = tpu.memref_slice %arg3[%dma_start3A_25, %multiple_of3A_22] : memref<64x1000000xf32, #tpu.memory_space<hbm>> -> memref<64x128xf32, #tpu.memory_space<hbm>>
    tpu.enqueue_dma source(%dma_start3A_26 : memref<64x128xf32, #tpu.memory_space<hbm>>) target(%arg10 : memref<64x128xf32, #tpu.memory_space<vmem>>) target_semaphore(%arg23 : memref<!tpu.dma_semaphore, #tpu.memory_space<semaphore_mem>>)
    %slice3A_27 = vector.extract_strided_slice %shift_left3A_13 {offsets = [2], sizes = [1], strides = [1]} : vector<16xi32> to vector<1xi32>
    %squeeze3A_28 = vector.extract %slice3A_27[0] : i32 from vector<1xi32>
    %multiple_of3A_29 = tpu.assume_multiple %squeeze3A_28, 128 : i32
    %dma_start3A_30 = arith.constant 0 : i32
    %dma_start3A_31 = tpu.memref_slice %arg3[%dma_start3A_30, %multiple_of3A_29] : memref<64x1000000xf32, #tpu.memory_space<hbm>> -> memref<64x128xf32, #tpu.memory_space<hbm>>
    %dma_start3A_32 = arith.constant 0 : i32
    %dma_start3A_33 = tpu.memref_slice %arg3[%dma_start3A_32, %multiple_of3A_29] : memref<64x1000000xf32, #tpu.memory_space<hbm>> -> memref<64x128xf32, #tpu.memory_space<hbm>>
    tpu.enqueue_dma source(%dma_start3A_33 : memref<64x128xf32, #tpu.memory_space<hbm>>) target(%arg11 : memref<64x128xf32, #tpu.memory_space<vmem>>) target_semaphore(%arg23 : memref<!tpu.dma_semaphore, #tpu.memory_space<semaphore_mem>>)
    %slice3A_34 = vector.extract_strided_slice %shift_left3A_13 {offsets = [3], sizes = [1], strides = [1]} : vector<16xi32> to vector<1xi32>
    %squeeze3A_35 = vector.extract %slice3A_34[0] : i32 from vector<1xi32>
    %multiple_of3A_36 = tpu.assume_multiple %squeeze3A_35, 128 : i32
    %dma_start3A_37 = arith.constant 0 : i32
    %dma_start3A_38 = tpu.memref_slice %arg3[%dma_start3A_37, %multiple_of3A_36] : memref<64x1000000xf32, #tpu.memory_space<hbm>> -> memref<64x128xf32, #tpu.memory_space<hbm>>
    %dma_start3A_39 = arith.constant 0 : i32
    %dma_start3A_40 = tpu.memref_slice %arg3[%dma_start3A_39, %multiple_of3A_36] : memref<64x1000000xf32, #tpu.memory_space<hbm>> -> memref<64x128xf32, #tpu.memory_space<hbm>>
    tpu.enqueue_dma source(%dma_start3A_40 : memref<64x128xf32, #tpu.memory_space<hbm>>) target(%arg12 : memref<64x128xf32, #tpu.memory_space<vmem>>) target_semaphore(%arg23 : memref<!tpu.dma_semaphore, #tpu.memory_space<semaphore_mem>>)
    %slice3A_41 = vector.extract_strided_slice %shift_left3A_13 {offsets = [4], sizes = [1], strides = [1]} : vector<16xi32> to vector<1xi32>
    %squeeze3A_42 = vector.extract %slice3A_41[0] : i32 from vector<1xi32>
    %multiple_of3A_43 = tpu.assume_multiple %squeeze3A_42, 128 : i32
    %dma_start3A_44 = arith.constant 0 : i32
    %dma_start3A_45 = tpu.memref_slice %arg3[%dma_start3A_44, %multiple_of3A_43] : memref<64x1000000xf32, #tpu.memory_space<hbm>> -> memref<64x128xf32, #tpu.memory_space<hbm>>
    %dma_start3A_46 = arith.constant 0 : i32
    %dma_start3A_47 = tpu.memref_slice %arg3[%dma_start3A_46, %multiple_of3A_43] : memref<64x1000000xf32, #tpu.memory_space<hbm>> -> memref<64x128xf32, #tpu.memory_space<hbm>>
    tpu.enqueue_dma source(%dma_start3A_47 : memref<64x128xf32, #tpu.memory_space<hbm>>) target(%arg13 : memref<64x128xf32, #tpu.memory_space<vmem>>) target_semaphore(%arg23 : memref<!tpu.dma_semaphore, #tpu.memory_space<semaphore_mem>>)
    %slice3A_48 = vector.extract_strided_slice %shift_left3A_13 {offsets = [5], sizes = [1], strides = [1]} : vector<16xi32> to vector<1xi32>
    %squeeze3A_49 = vector.extract %slice3A_48[0] : i32 from vector<1xi32>
    %multiple_of3A_50 = tpu.assume_multiple %squeeze3A_49, 128 : i32
    %dma_start3A_51 = arith.constant 0 : i32
    %dma_start3A_52 = tpu.memref_slice %arg3[%dma_start3A_51, %multiple_of3A_50] : memref<64x1000000xf32, #tpu.memory_space<hbm>> -> memref<64x128xf32, #tpu.memory_space<hbm>>
    %dma_start3A_53 = arith.constant 0 : i32
    %dma_start3A_54 = tpu.memref_slice %arg3[%dma_start3A_53, %multiple_of3A_50] : memref<64x1000000xf32, #tpu.memory_space<hbm>> -> memref<64x128xf32, #tpu.memory_space<hbm>>
    tpu.enqueue_dma source(%dma_start3A_54 : memref<64x128xf32, #tpu.memory_space<hbm>>) target(%arg14 : memref<64x128xf32, #tpu.memory_space<vmem>>) target_semaphore(%arg23 : memref<!tpu.dma_semaphore, #tpu.memory_space<semaphore_mem>>)
    %slice3A_55 = vector.extract_strided_slice %shift_left3A_13 {offsets = [6], sizes = [1], strides = [1]} : vector<16xi32> to vector<1xi32>
    %squeeze3A_56 = vector.extract %slice3A_55[0] : i32 from vector<1xi32>
    %multiple_of3A_57 = tpu.assume_multiple %squeeze3A_56, 128 : i32
    %dma_start3A_58 = arith.constant 0 : i32
    %dma_start3A_59 = tpu.memref_slice %arg3[%dma_start3A_58, %multiple_of3A_57] : memref<64x1000000xf32, #tpu.memory_space<hbm>> -> memref<64x128xf32, #tpu.memory_space<hbm>>
    %dma_start3A_60 = arith.constant 0 : i32
    %dma_start3A_61 = tpu.memref_slice %arg3[%dma_start3A_60, %multiple_of3A_57] : memref<64x1000000xf32, #tpu.memory_space<hbm>> -> memref<64x128xf32, #tpu.memory_space<hbm>>
    tpu.enqueue_dma source(%dma_start3A_61 : memref<64x128xf32, #tpu.memory_space<hbm>>) target(%arg15 : memref<64x128xf32, #tpu.memory_space<vmem>>) target_semaphore(%arg23 : memref<!tpu.dma_semaphore, #tpu.memory_space<semaphore_mem>>)
    %slice3A_62 = vector.extract_strided_slice %shift_left3A_13 {offsets = [7], sizes = [1], strides = [1]} : vector<16xi32> to vector<1xi32>
    %squeeze3A_63 = vector.extract %slice3A_62[0] : i32 from vector<1xi32>
    %multiple_of3A_64 = tpu.assume_multiple %squeeze3A_63, 128 : i32
    %dma_start3A_65 = arith.constant 0 : i32
    %dma_start3A_66 = tpu.memref_slice %arg3[%dma_start3A_65, %multiple_of3A_64] : memref<64x1000000xf32, #tpu.memory_space<hbm>> -> memref<64x128xf32, #tpu.memory_space<hbm>>
    %dma_start3A_67 = arith.constant 0 : i32
    %dma_start3A_68 = tpu.memref_slice %arg3[%dma_start3A_67, %multiple_of3A_64] : memref<64x1000000xf32, #tpu.memory_space<hbm>> -> memref<64x128xf32, #tpu.memory_space<hbm>>
    tpu.enqueue_dma source(%dma_start3A_68 : memref<64x128xf32, #tpu.memory_space<hbm>>) target(%arg16 : memref<64x128xf32, #tpu.memory_space<vmem>>) target_semaphore(%arg23 : memref<!tpu.dma_semaphore, #tpu.memory_space<semaphore_mem>>)
    %slice3A_69 = vector.extract_strided_slice %shift_left3A_13 {offsets = [8], sizes = [1], strides = [1]} : vector<16xi32> to vector<1xi32>
    %squeeze3A_70 = vector.extract %slice3A_69[0] : i32 from vector<1xi32>
    %multiple_of3A_71 = tpu.assume_multiple %squeeze3A_70, 128 : i32
    %dma_start3A_72 = arith.constant 0 : i32
    %dma_start3A_73 = tpu.memref_slice %arg3[%dma_start3A_72, %multiple_of3A_71] : memref<64x1000000xf32, #tpu.memory_space<hbm>> -> memref<64x128xf32, #tpu.memory_space<hbm>>
    %dma_start3A_74 = arith.constant 0 : i32
    %dma_start3A_75 = tpu.memref_slice %arg3[%dma_start3A_74, %multiple_of3A_71] : memref<64x1000000xf32, #tpu.memory_space<hbm>> -> memref<64x128xf32, #tpu.memory_space<hbm>>
    tpu.enqueue_dma source(%dma_start3A_75 : memref<64x128xf32, #tpu.memory_space<hbm>>) target(%arg17 : memref<64x128xf32, #tpu.memory_space<vmem>>) target_semaphore(%arg23 : memref<!tpu.dma_semaphore, #tpu.memory_space<semaphore_mem>>)
    %slice3A_76 = vector.extract_strided_slice %shift_left3A_13 {offsets = [9], sizes = [1], strides = [1]} : vector<16xi32> to vector<1xi32>
    %squeeze3A_77 = vector.extract %slice3A_76[0] : i32 from vector<1xi32>
    %multiple_of3A_78 = tpu.assume_multiple %squeeze3A_77, 128 : i32
    %dma_start3A_79 = arith.constant 0 : i32
    %dma_start3A_80 = tpu.memref_slice %arg3[%dma_start3A_79, %multiple_of3A_78] : memref<64x1000000xf32, #tpu.memory_space<hbm>> -> memref<64x128xf32, #tpu.memory_space<hbm>>
    %dma_start3A_81 = arith.constant 0 : i32
    %dma_start3A_82 = tpu.memref_slice %arg3[%dma_start3A_81, %multiple_of3A_78] : memref<64x1000000xf32, #tpu.memory_space<hbm>> -> memref<64x128xf32, #tpu.memory_space<hbm>>
    tpu.enqueue_dma source(%dma_start3A_82 : memref<64x128xf32, #tpu.memory_space<hbm>>) target(%arg18 : memref<64x128xf32, #tpu.memory_space<vmem>>) target_semaphore(%arg23 : memref<!tpu.dma_semaphore, #tpu.memory_space<semaphore_mem>>)
    %slice3A_83 = vector.extract_strided_slice %shift_left3A_13 {offsets = [10], sizes = [1], strides = [1]} : vector<16xi32> to vector<1xi32>
    %squeeze3A_84 = vector.extract %slice3A_83[0] : i32 from vector<1xi32>
    %multiple_of3A_85 = tpu.assume_multiple %squeeze3A_84, 128 : i32
    %dma_start3A_86 = arith.constant 0 : i32
    %dma_start3A_87 = tpu.memref_slice %arg3[%dma_start3A_86, %multiple_of3A_85] : memref<64x1000000xf32, #tpu.memory_space<hbm>> -> memref<64x128xf32, #tpu.memory_space<hbm>>
    %dma_start3A_88 = arith.constant 0 : i32
    %dma_start3A_89 = tpu.memref_slice %arg3[%dma_start3A_88, %multiple_of3A_85] : memref<64x1000000xf32, #tpu.memory_space<hbm>> -> memref<64x128xf32, #tpu.memory_space<hbm>>
    tpu.enqueue_dma source(%dma_start3A_89 : memref<64x128xf32, #tpu.memory_space<hbm>>) target(%arg19 : memref<64x128xf32, #tpu.memory_space<vmem>>) target_semaphore(%arg23 : memref<!tpu.dma_semaphore, #tpu.memory_space<semaphore_mem>>)
    %slice3A_90 = vector.extract_strided_slice %shift_left3A_13 {offsets = [11], sizes = [1], strides = [1]} : vector<16xi32> to vector<1xi32>
    %squeeze3A_91 = vector.extract %slice3A_90[0] : i32 from vector<1xi32>
    %multiple_of3A_92 = tpu.assume_multiple %squeeze3A_91, 128 : i32
    %dma_start3A_93 = arith.constant 0 : i32
    %dma_start3A_94 = tpu.memref_slice %arg3[%dma_start3A_93, %multiple_of3A_92] : memref<64x1000000xf32, #tpu.memory_space<hbm>> -> memref<64x128xf32, #tpu.memory_space<hbm>>
    %dma_start3A_95 = arith.constant 0 : i32
    %dma_start3A_96 = tpu.memref_slice %arg3[%dma_start3A_95, %multiple_of3A_92] : memref<64x1000000xf32, #tpu.memory_space<hbm>> -> memref<64x128xf32, #tpu.memory_space<hbm>>
    tpu.enqueue_dma source(%dma_start3A_96 : memref<64x128xf32, #tpu.memory_space<hbm>>) target(%arg20 : memref<64x128xf32, #tpu.memory_space<vmem>>) target_semaphore(%arg23 : memref<!tpu.dma_semaphore, #tpu.memory_space<semaphore_mem>>)
    %slice3A_97 = vector.extract_strided_slice %shift_left3A_13 {offsets = [12], sizes = [1], strides = [1]} : vector<16xi32> to vector<1xi32>
    %squeeze3A_98 = vector.extract %slice3A_97[0] : i32 from vector<1xi32>
    %multiple_of3A_99 = tpu.assume_multiple %squeeze3A_98, 128 : i32
    %dma_start3A_100 = arith.constant 0 : i32
    %dma_start3A_101 = tpu.memref_slice %arg3[%dma_start3A_100, %multiple_of3A_99] : memref<64x1000000xf32, #tpu.memory_space<hbm>> -> memref<64x128xf32, #tpu.memory_space<hbm>>
    %dma_start3A_102 = arith.constant 0 : i32
    %dma_start3A_103 = tpu.memref_slice %arg3[%dma_start3A_102, %multiple_of3A_99] : memref<64x1000000xf32, #tpu.memory_space<hbm>> -> memref<64x128xf32, #tpu.memory_space<hbm>>
    tpu.enqueue_dma source(%dma_start3A_103 : memref<64x128xf32, #tpu.memory_space<hbm>>) target(%arg21 : memref<64x128xf32, #tpu.memory_space<vmem>>) target_semaphore(%arg23 : memref<!tpu.dma_semaphore, #tpu.memory_space<semaphore_mem>>)
    %slice3A_104 = vector.extract_strided_slice %shift_left3A_13 {offsets = [13], sizes = [1], strides = [1]} : vector<16xi32> to vector<1xi32>
    %squeeze3A_105 = vector.extract %slice3A_104[0] : i32 from vector<1xi32>
    %multiple_of3A_106 = tpu.assume_multiple %squeeze3A_105, 128 : i32
    %dma_start3A_107 = arith.constant 0 : i32
    %dma_start3A_108 = tpu.memref_slice %arg3[%dma_start3A_107, %multiple_of3A_106] : memref<64x1000000xf32, #tpu.memory_space<hbm>> -> memref<64x128xf32, #tpu.memory_space<hbm>>
    %dma_start3A_109 = arith.constant 0 : i32
    %dma_start3A_110 = tpu.memref_slice %arg3[%dma_start3A_109, %multiple_of3A_106] : memref<64x1000000xf32, #tpu.memory_space<hbm>> -> memref<64x128xf32, #tpu.memory_space<hbm>>
    tpu.enqueue_dma source(%dma_start3A_110 : memref<64x128xf32, #tpu.memory_space<hbm>>) target(%arg22 : memref<64x128xf32, #tpu.memory_space<vmem>>) target_semaphore(%arg23 : memref<!tpu.dma_semaphore, #tpu.memory_space<semaphore_mem>>)
    %dma_wait3A_111 = arith.constant 0 : i32
    %dma_wait3A_112 = tpu.memref_slice %arg4[%mul3A_2, %dma_wait3A_111] : memref<512x64xf32, #tpu.memory_space<hbm>> -> memref<16x64xf32, #tpu.memory_space<hbm>>
    %dma_wait3A_113 = arith.constant 0 : i32
    %dma_wait3A_114 = tpu.memref_slice %arg4[%mul3A_2, %dma_wait3A_113] : memref<512x64xf32, #tpu.memory_space<hbm>> -> memref<16x64xf32, #tpu.memory_space<hbm>>
    tpu.wait_dma2 semaphore(%arg25 : memref<!tpu.dma_semaphore, #tpu.memory_space<semaphore_mem>>) src(%dma_wait3A_114 : memref<16x64xf32, #tpu.memory_space<hbm>>) dst(%arg7 : memref<16x64xf32, #tpu.memory_space<vmem>>)
    %dma_wait3A_115 = arith.constant 0 : i32
    %dma_wait3A_116 = tpu.memref_slice %arg3[%dma_wait3A_115, %multiple_of3A] : memref<64x1000000xf32, #tpu.memory_space<hbm>> -> memref<64x128xf32, #tpu.memory_space<hbm>>
    %dma_wait3A_117 = arith.constant 0 : i32
    %dma_wait3A_118 = tpu.memref_slice %arg3[%dma_wait3A_117, %multiple_of3A] : memref<64x1000000xf32, #tpu.memory_space<hbm>> -> memref<64x128xf32, #tpu.memory_space<hbm>>
    tpu.wait_dma2 semaphore(%arg23 : memref<!tpu.dma_semaphore, #tpu.memory_space<semaphore_mem>>) src(%dma_wait3A_118 : memref<64x128xf32, #tpu.memory_space<hbm>>) dst(%arg9 : memref<64x128xf32, #tpu.memory_space<vmem>>)
    %slice3A_119 = vector.extract_strided_slice %and3A_15 {offsets = [0], sizes = [1], strides = [1]} : vector<16xi32> to vector<1xi32>
    %squeeze3A_120 = vector.extract %slice3A_119[0] : i32 from vector<1xi32>
    %broadcast_in_dim3A = vector.broadcast %squeeze3A_120 : i32 to vector<16xi32>
    %add3A_121 = arith.constant 0 : i32
    %add3A_122 = vector.broadcast %add3A_121 : i32 to vector<16xi32>
    %add3A_123 = arith.addi %iota3A, %add3A_122 : vector<16xi32>
    %gather3A = tpu.vector_load_idx %arg9[%add3A_123, %broadcast_in_dim3A] : memref<64x128xf32, #tpu.memory_space<vmem>>[vector<16xi32>, vector<16xi32>], vector<16xf32>,
    %get3A_124 = arith.constant 0 : i32
    %get3A_125 = arith.index_cast %get3A_124 : i32 to index
    %get3A_126 = arith.constant 0 : index
    %get3A_127 = tpu.vector_load %arg7[%get3A_125, %get3A_126] {strides = array<i32>} : memref<16x64xf32, #tpu.memory_space<vmem>>, vector<16xf32>,
    %add3A_128 = arith.addf %gather3A, %get3A_127 : vector<16xf32>
    %swap3A = arith.constant 0 : i32
    %swap3A_129 = arith.index_cast %swap3A : i32 to index
    %swap3A_130 = arith.constant 0 : index
    %swap3A_131 = tpu.vector_load %arg8[%swap3A_129, %swap3A_130] {strides = array<i32>} : memref<16x64xf32, #tpu.memory_space<vmem>>, vector<16xf32>,
    tpu.vector_store %arg8[%swap3A_129, %swap3A_130], %add3A_128 {strides = array<i32>} : memref<16x64xf32, #tpu.memory_space<vmem>>, vector<16xf32>,
    %add3A_132 = arith.constant 16 : i32
    %add3A_133 = vector.broadcast %add3A_132 : i32 to vector<16xi32>
    %add3A_134 = arith.addi %iota3A, %add3A_133 : vector<16xi32>
    %gather3A_135 = tpu.vector_load_idx %arg9[%add3A_134, %broadcast_in_dim3A] : memref<64x128xf32, #tpu.memory_space<vmem>>[vector<16xi32>, vector<16xi32>], vector<16xf32>,
    %get3A_136 = arith.constant 0 : i32
    %get3A_137 = arith.index_cast %get3A_136 : i32 to index
    %get3A_138 = arith.constant 16 : index
    %get3A_139 = tpu.vector_load %arg7[%get3A_137, %get3A_138] {strides = array<i32>} : memref<16x64xf32, #tpu.memory_space<vmem>>, vector<16xf32>,
    %add3A_140 = arith.addf %gather3A_135, %get3A_139 : vector<16xf32>
    %swap3A_141 = arith.constant 0 : i32
    %swap3A_142 = arith.index_cast %swap3A_141 : i32 to index
    %swap3A_143 = arith.constant 16 : index
    %swap3A_144 = tpu.vector_load %arg8[%swap3A_142, %swap3A_143] {strides = array<i32>} : memref<16x64xf32, #tpu.memory_space<vmem>>, vector<16xf32>,
    tpu.vector_store %arg8[%swap3A_142, %swap3A_143], %add3A_140 {strides = array<i32>} : memref<16x64xf32, #tpu.memory_space<vmem>>, vector<16xf32>,
    %add3A_145 = arith.constant 32 : i32
    %add3A_146 = vector.broadcast %add3A_145 : i32 to vector<16xi32>
    %add3A_147 = arith.addi %iota3A, %add3A_146 : vector<16xi32>
    %gather3A_148 = tpu.vector_load_idx %arg9[%add3A_147, %broadcast_in_dim3A] : memref<64x128xf32, #tpu.memory_space<vmem>>[vector<16xi32>, vector<16xi32>], vector<16xf32>,
    %get3A_149 = arith.constant 0 : i32
    %get3A_150 = arith.index_cast %get3A_149 : i32 to index
    %get3A_151 = arith.constant 32 : index
    %get3A_152 = tpu.vector_load %arg7[%get3A_150, %get3A_151] {strides = array<i32>} : memref<16x64xf32, #tpu.memory_space<vmem>>, vector<16xf32>,
    %add3A_153 = arith.addf %gather3A_148, %get3A_152 : vector<16xf32>
    %swap3A_154 = arith.constant 0 : i32
    %swap3A_155 = arith.index_cast %swap3A_154 : i32 to index
    %swap3A_156 = arith.constant 32 : index
    %swap3A_157 = tpu.vector_load %arg8[%swap3A_155, %swap3A_156] {strides = array<i32>} : memref<16x64xf32, #tpu.memory_space<vmem>>, vector<16xf32>,
    tpu.vector_store %arg8[%swap3A_155, %swap3A_156], %add3A_153 {strides = array<i32>} : memref<16x64xf32, #tpu.memory_space<vmem>>, vector<16xf32>,
    %add3A_158 = arith.constant 48 : i32
    %add3A_159 = vector.broadcast %add3A_158 : i32 to vector<16xi32>
    %add3A_160 = arith.addi %iota3A, %add3A_159 : vector<16xi32>
    %gather3A_161 = tpu.vector_load_idx %arg9[%add3A_160, %broadcast_in_dim3A] : memref<64x128xf32, #tpu.memory_space<vmem>>[vector<16xi32>, vector<16xi32>], vector<16xf32>,
    %get3A_162 = arith.constant 0 : i32
    %get3A_163 = arith.index_cast %get3A_162 : i32 to index
    %get3A_164 = arith.constant 48 : index
    %get3A_165 = tpu.vector_load %arg7[%get3A_163, %get3A_164] {strides = array<i32>} : memref<16x64xf32, #tpu.memory_space<vmem>>, vector<16xf32>,
    %add3A_166 = arith.addf %gather3A_161, %get3A_165 : vector<16xf32>
    %swap3A_167 = arith.constant 0 : i32
    %swap3A_168 = arith.index_cast %swap3A_167 : i32 to index
    %swap3A_169 = arith.constant 48 : index
    %swap3A_170 = tpu.vector_load %arg8[%swap3A_168, %swap3A_169] {strides = array<i32>} : memref<16x64xf32, #tpu.memory_space<vmem>>, vector<16xf32>,
    tpu.vector_store %arg8[%swap3A_168, %swap3A_169], %add3A_166 {strides = array<i32>} : memref<16x64xf32, #tpu.memory_space<vmem>>, vector<16xf32>,
    %slice3A_171 = vector.extract_strided_slice %shift_left3A_13 {offsets = [14], sizes = [1], strides = [1]} : vector<16xi32> to vector<1xi32>
    %squeeze3A_172 = vector.extract %slice3A_171[0] : i32 from vector<1xi32>
    %multiple_of3A_173 = tpu.assume_multiple %squeeze3A_172, 128 : i32
    %dma_start3A_174 = arith.constant 0 : i32
    %dma_start3A_175 = tpu.memref_slice %arg3[%dma_start3A_174, %multiple_of3A_173] : memref<64x1000000xf32, #tpu.memory_space<hbm>> -> memref<64x128xf32, #tpu.memory_space<hbm>>
    %dma_start3A_176 = arith.constant 0 : i32
    %dma_start3A_177 = tpu.memref_slice %arg3[%dma_start3A_176, %multiple_of3A_173] : memref<64x1000000xf32, #tpu.memory_space<hbm>> -> memref<64x128xf32, #tpu.memory_space<hbm>>
    tpu.enqueue_dma source(%dma_start3A_177 : memref<64x128xf32, #tpu.memory_space<hbm>>) target(%arg9 : memref<64x128xf32, #tpu.memory_space<vmem>>) target_semaphore(%arg23 : memref<!tpu.dma_semaphore, #tpu.memory_space<semaphore_mem>>)
    %dma_wait3A_178 = arith.constant 0 : i32
    %dma_wait3A_179 = tpu.memref_slice %arg3[%dma_wait3A_178, %multiple_of3A_22] : memref<64x1000000xf32, #tpu.memory_space<hbm>> -> memref<64x128xf32, #tpu.memory_space<hbm>>
    %dma_wait3A_180 = arith.constant 0 : i32
    %dma_wait3A_181 = tpu.memref_slice %arg3[%dma_wait3A_180, %multiple_of3A_22] : memref<64x1000000xf32, #tpu.memory_space<hbm>> -> memref<64x128xf32, #tpu.memory_space<hbm>>
    tpu.wait_dma2 semaphore(%arg23 : memref<!tpu.dma_semaphore, #tpu.memory_space<semaphore_mem>>) src(%dma_wait3A_181 : memref<64x128xf32, #tpu.memory_space<hbm>>) dst(%arg10 : memref<64x128xf32, #tpu.memory_space<vmem>>)
    %slice3A_182 = vector.extract_strided_slice %and3A_15 {offsets = [1], sizes = [1], strides = [1]} : vector<16xi32> to vector<1xi32>
    %squeeze3A_183 = vector.extract %slice3A_182[0] : i32 from vector<1xi32>
    %broadcast_in_dim3A_184 = vector.broadcast %squeeze3A_183 : i32 to vector<16xi32>
    %add3A_185 = arith.constant 0 : i32
    %add3A_186 = vector.broadcast %add3A_185 : i32 to vector<16xi32>
    %add3A_187 = arith.addi %iota3A, %add3A_186 : vector<16xi32>
    %gather3A_188 = tpu.vector_load_idx %arg10[%add3A_187, %broadcast_in_dim3A_184] : memref<64x128xf32, #tpu.memory_space<vmem>>[vector<16xi32>, vector<16xi32>], vector<16xf32>,
    %get3A_189 = arith.constant 1 : i32
    %get3A_190 = arith.index_cast %get3A_189 : i32 to index
    %get3A_191 = arith.constant 0 : index
    %get3A_192 = tpu.vector_load %arg7[%get3A_190, %get3A_191] {strides = array<i32>} : memref<16x64xf32, #tpu.memory_space<vmem>>, vector<16xf32>,
    %add3A_193 = arith.addf %gather3A_188, %get3A_192 : vector<16xf32>
    %swap3A_194 = arith.constant 1 : i32
    %swap3A_195 = arith.index_cast %swap3A_194 : i32 to index
    %swap3A_196 = arith.constant 0 : index
    %swap3A_197 = tpu.vector_load %arg8[%swap3A_195, %swap3A_196] {strides = array<i32>} : memref<16x64xf32, #tpu.memory_space<vmem>>, vector<16xf32>,
    tpu.vector_store %arg8[%swap3A_195, %swap3A_196], %add3A_193 {strides = array<i32>} : memref<16x64xf32, #tpu.memory_space<vmem>>, vector<16xf32>,
    %add3A_198 = arith.constant 16 : i32
    %add3A_199 = vector.broadcast %add3A_198 : i32 to vector<16xi32>
    %add3A_200 = arith.addi %iota3A, %add3A_199 : vector<16xi32>
    %gather3A_201 = tpu.vector_load_idx %arg10[%add3A_200, %broadcast_in_dim3A_184] : memref<64x128xf32, #tpu.memory_space<vmem>>[vector<16xi32>, vector<16xi32>], vector<16xf32>,
    %get3A_202 = arith.constant 1 : i32
    %get3A_203 = arith.index_cast %get3A_202 : i32 to index
    %get3A_204 = arith.constant 16 : index
    %get3A_205 = tpu.vector_load %arg7[%get3A_203, %get3A_204] {strides = array<i32>} : memref<16x64xf32, #tpu.memory_space<vmem>>, vector<16xf32>,
    %add3A_206 = arith.addf %gather3A_201, %get3A_205 : vector<16xf32>
    %swap3A_207 = arith.constant 1 : i32
    %swap3A_208 = arith.index_cast %swap3A_207 : i32 to index
    %swap3A_209 = arith.constant 16 : index
    %swap3A_210 = tpu.vector_load %arg8[%swap3A_208, %swap3A_209] {strides = array<i32>} : memref<16x64xf32, #tpu.memory_space<vmem>>, vector<16xf32>,
    tpu.vector_store %arg8[%swap3A_208, %swap3A_209], %add3A_206 {strides = array<i32>} : memref<16x64xf32, #tpu.memory_space<vmem>>, vector<16xf32>,
    %add3A_211 = arith.constant 32 : i32
    %add3A_212 = vector.broadcast %add3A_211 : i32 to vector<16xi32>
    %add3A_213 = arith.addi %iota3A, %add3A_212 : vector<16xi32>
    %gather3A_214 = tpu.vector_load_idx %arg10[%add3A_213, %broadcast_in_dim3A_184] : memref<64x128xf32, #tpu.memory_space<vmem>>[vector<16xi32>, vector<16xi32>], vector<16xf32>,
    %get3A_215 = arith.constant 1 : i32
    %get3A_216 = arith.index_cast %get3A_215 : i32 to index
    %get3A_217 = arith.constant 32 : index
    %get3A_218 = tpu.vector_load %arg7[%get3A_216, %get3A_217] {strides = array<i32>} : memref<16x64xf32, #tpu.memory_space<vmem>>, vector<16xf32>,
    %add3A_219 = arith.addf %gather3A_214, %get3A_218 : vector<16xf32>
    %swap3A_220 = arith.constant 1 : i32
    %swap3A_221 = arith.index_cast %swap3A_220 : i32 to index
    %swap3A_222 = arith.constant 32 : index
    %swap3A_223 = tpu.vector_load %arg8[%swap3A_221, %swap3A_222] {strides = array<i32>} : memref<16x64xf32, #tpu.memory_space<vmem>>, vector<16xf32>,
    tpu.vector_store %arg8[%swap3A_221, %swap3A_222], %add3A_219 {strides = array<i32>} : memref<16x64xf32, #tpu.memory_space<vmem>>, vector<16xf32>,
    %add3A_224 = arith.constant 48 : i32
    %add3A_225 = vector.broadcast %add3A_224 : i32 to vector<16xi32>
    %add3A_226 = arith.addi %iota3A, %add3A_225 : vector<16xi32>
    %gather3A_227 = tpu.vector_load_idx %arg10[%add3A_226, %broadcast_in_dim3A_184] : memref<64x128xf32, #tpu.memory_space<vmem>>[vector<16xi32>, vector<16xi32>], vector<16xf32>,
    %get3A_228 = arith.constant 1 : i32
    %get3A_229 = arith.index_cast %get3A_228 : i32 to index
    %get3A_230 = arith.constant 48 : index
    %get3A_231 = tpu.vector_load %arg7[%get3A_229, %get3A_230] {strides = array<i32>} : memref<16x64xf32, #tpu.memory_space<vmem>>, vector<16xf32>,
    %add3A_232 = arith.addf %gather3A_227, %get3A_231 : vector<16xf32>
    %swap3A_233 = arith.constant 1 : i32
    %swap3A_234 = arith.index_cast %swap3A_233 : i32 to index
    %swap3A_235 = arith.constant 48 : index
    %swap3A_236 = tpu.vector_load %arg8[%swap3A_234, %swap3A_235] {strides = array<i32>} : memref<16x64xf32, #tpu.memory_space<vmem>>, vector<16xf32>,
    tpu.vector_store %arg8[%swap3A_234, %swap3A_235], %add3A_232 {strides = array<i32>} : memref<16x64xf32, #tpu.memory_space<vmem>>, vector<16xf32>,
    %slice3A_237 = vector.extract_strided_slice %shift_left3A_13 {offsets = [15], sizes = [1], strides = [1]} : vector<16xi32> to vector<1xi32>
    %squeeze3A_238 = vector.extract %slice3A_237[0] : i32 from vector<1xi32>
    %multiple_of3A_239 = tpu.assume_multiple %squeeze3A_238, 128 : i32
    %dma_start3A_240 = arith.constant 0 : i32
    %dma_start3A_241 = tpu.memref_slice %arg3[%dma_start3A_240, %multiple_of3A_239] : memref<64x1000000xf32, #tpu.memory_space<hbm>> -> memref<64x128xf32, #tpu.memory_space<hbm>>
    %dma_start3A_242 = arith.constant 0 : i32
    %dma_start3A_243 = tpu.memref_slice %arg3[%dma_start3A_242, %multiple_of3A_239] : memref<64x1000000xf32, #tpu.memory_space<hbm>> -> memref<64x128xf32, #tpu.memory_space<hbm>>
    tpu.enqueue_dma source(%dma_start3A_243 : memref<64x128xf32, #tpu.memory_space<hbm>>) target(%arg10 : memref<64x128xf32, #tpu.memory_space<vmem>>) target_semaphore(%arg23 : memref<!tpu.dma_semaphore, #tpu.memory_space<semaphore_mem>>)
    %dma_wait3A_244 = arith.constant 0 : i32
    %dma_wait3A_245 = tpu.memref_slice %arg3[%dma_wait3A_244, %multiple_of3A_29] : memref<64x1000000xf32, #tpu.memory_space<hbm>> -> memref<64x128xf32, #tpu.memory_space<hbm>>
    %dma_wait3A_246 = arith.constant 0 : i32
    %dma_wait3A_247 = tpu.memref_slice %arg3[%dma_wait3A_246, %multiple_of3A_29] : memref<64x1000000xf32, #tpu.memory_space<hbm>> -> memref<64x128xf32, #tpu.memory_space<hbm>>
    tpu.wait_dma2 semaphore(%arg23 : memref<!tpu.dma_semaphore, #tpu.memory_space<semaphore_mem>>) src(%dma_wait3A_247 : memref<64x128xf32, #tpu.memory_space<hbm>>) dst(%arg11 : memref<64x128xf32, #tpu.memory_space<vmem>>)
    %slice3A_248 = vector.extract_strided_slice %and3A_15 {offsets = [2], sizes = [1], strides = [1]} : vector<16xi32> to vector<1xi32>
    %squeeze3A_249 = vector.extract %slice3A_248[0] : i32 from vector<1xi32>
    %broadcast_in_dim3A_250 = vector.broadcast %squeeze3A_249 : i32 to vector<16xi32>
    %add3A_251 = arith.constant 0 : i32
    %add3A_252 = vector.broadcast %add3A_251 : i32 to vector<16xi32>
    %add3A_253 = arith.addi %iota3A, %add3A_252 : vector<16xi32>
    %gather3A_254 = tpu.vector_load_idx %arg11[%add3A_253, %broadcast_in_dim3A_250] : memref<64x128xf32, #tpu.memory_space<vmem>>[vector<16xi32>, vector<16xi32>], vector<16xf32>,
    %get3A_255 = arith.constant 2 : i32
    %get3A_256 = arith.index_cast %get3A_255 : i32 to index
    %get3A_257 = arith.constant 0 : index
    %get3A_258 = tpu.vector_load %arg7[%get3A_256, %get3A_257] {strides = array<i32>} : memref<16x64xf32, #tpu.memory_space<vmem>>, vector<16xf32>,
    %add3A_259 = arith.addf %gather3A_254, %get3A_258 : vector<16xf32>
    %swap3A_260 = arith.constant 2 : i32
    %swap3A_261 = arith.index_cast %swap3A_260 : i32 to index
    %swap3A_262 = arith.constant 0 : index
    %swap3A_263 = tpu.vector_load %arg8[%swap3A_261, %swap3A_262] {strides = array<i32>} : memref<16x64xf32, #tpu.memory_space<vmem>>, vector<16xf32>,
    tpu.vector_store %arg8[%swap3A_261, %swap3A_262], %add3A_259 {strides = array<i32>} : memref<16x64xf32, #tpu.memory_space<vmem>>, vector<16xf32>,
    %add3A_264 = arith.constant 16 : i32
    %add3A_265 = vector.broadcast %add3A_264 : i32 to vector<16xi32>
    %add3A_266 = arith.addi %iota3A, %add3A_265 : vector<16xi32>
    %gather3A_267 = tpu.vector_load_idx %arg11[%add3A_266, %broadcast_in_dim3A_250] : memref<64x128xf32, #tpu.memory_space<vmem>>[vector<16xi32>, vector<16xi32>], vector<16xf32>,
    %get3A_268 = arith.constant 2 : i32
    %get3A_269 = arith.index_cast %get3A_268 : i32 to index
    %get3A_270 = arith.constant 16 : index
    %get3A_271 = tpu.vector_load %arg7[%get3A_269, %get3A_270] {strides = array<i32>} : memref<16x64xf32, #tpu.memory_space<vmem>>, vector<16xf32>,
    %add3A_272 = arith.addf %gather3A_267, %get3A_271 : vector<16xf32>
    %swap3A_273 = arith.constant 2 : i32
    %swap3A_274 = arith.index_cast %swap3A_273 : i32 to index
    %swap3A_275 = arith.constant 16 : index
    %swap3A_276 = tpu.vector_load %arg8[%swap3A_274, %swap3A_275] {strides = array<i32>} : memref<16x64xf32, #tpu.memory_space<vmem>>, vector<16xf32>,
    tpu.vector_store %arg8[%swap3A_274, %swap3A_275], %add3A_272 {strides = array<i32>} : memref<16x64xf32, #tpu.memory_space<vmem>>, vector<16xf32>,
    %add3A_277 = arith.constant 32 : i32
    %add3A_278 = vector.broadcast %add3A_277 : i32 to vector<16xi32>
    %add3A_279 = arith.addi %iota3A, %add3A_278 : vector<16xi32>
    %gather3A_280 = tpu.vector_load_idx %arg11[%add3A_279, %broadcast_in_dim3A_250] : memref<64x128xf32, #tpu.memory_space<vmem>>[vector<16xi32>, vector<16xi32>], vector<16xf32>,
    %get3A_281 = arith.constant 2 : i32
    %get3A_282 = arith.index_cast %get3A_281 : i32 to index
    %get3A_283 = arith.constant 32 : index
    %get3A_284 = tpu.vector_load %arg7[%get3A_282, %get3A_283] {strides = array<i32>} : memref<16x64xf32, #tpu.memory_space<vmem>>, vector<16xf32>,
    %add3A_285 = arith.addf %gather3A_280, %get3A_284 : vector<16xf32>
    %swap3A_286 = arith.constant 2 : i32
    %swap3A_287 = arith.index_cast %swap3A_286 : i32 to index
    %swap3A_288 = arith.constant 32 : index
    %swap3A_289 = tpu.vector_load %arg8[%swap3A_287, %swap3A_288] {strides = array<i32>} : memref<16x64xf32, #tpu.memory_space<vmem>>, vector<16xf32>,
    tpu.vector_store %arg8[%swap3A_287, %swap3A_288], %add3A_285 {strides = array<i32>} : memref<16x64xf32, #tpu.memory_space<vmem>>, vector<16xf32>,
    %add3A_290 = arith.constant 48 : i32
    %add3A_291 = vector.broadcast %add3A_290 : i32 to vector<16xi32>
    %add3A_292 = arith.addi %iota3A, %add3A_291 : vector<16xi32>
    %gather3A_293 = tpu.vector_load_idx %arg11[%add3A_292, %broadcast_in_dim3A_250] : memref<64x128xf32, #tpu.memory_space<vmem>>[vector<16xi32>, vector<16xi32>], vector<16xf32>,
    %get3A_294 = arith.constant 2 : i32
    %get3A_295 = arith.index_cast %get3A_294 : i32 to index
    %get3A_296 = arith.constant 48 : index
    %get3A_297 = tpu.vector_load %arg7[%get3A_295, %get3A_296] {strides = array<i32>} : memref<16x64xf32, #tpu.memory_space<vmem>>, vector<16xf32>,
    %add3A_298 = arith.addf %gather3A_293, %get3A_297 : vector<16xf32>
    %swap3A_299 = arith.constant 2 : i32
    %swap3A_300 = arith.index_cast %swap3A_299 : i32 to index
    %swap3A_301 = arith.constant 48 : index
    %swap3A_302 = tpu.vector_load %arg8[%swap3A_300, %swap3A_301] {strides = array<i32>} : memref<16x64xf32, #tpu.memory_space<vmem>>, vector<16xf32>,
    tpu.vector_store %arg8[%swap3A_300, %swap3A_301], %add3A_298 {strides = array<i32>} : memref<16x64xf32, #tpu.memory_space<vmem>>, vector<16xf32>,
    %dma_wait3A_303 = arith.constant 0 : i32
    %dma_wait3A_304 = tpu.memref_slice %arg3[%dma_wait3A_303, %multiple_of3A_36] : memref<64x1000000xf32, #tpu.memory_space<hbm>> -> memref<64x128xf32, #tpu.memory_space<hbm>>
    %dma_wait3A_305 = arith.constant 0 : i32
    %dma_wait3A_306 = tpu.memref_slice %arg3[%dma_wait3A_305, %multiple_of3A_36] : memref<64x1000000xf32, #tpu.memory_space<hbm>> -> memref<64x128xf32, #tpu.memory_space<hbm>>
    tpu.wait_dma2 semaphore(%arg23 : memref<!tpu.dma_semaphore, #tpu.memory_space<semaphore_mem>>) src(%dma_wait3A_306 : memref<64x128xf32, #tpu.memory_space<hbm>>) dst(%arg12 : memref<64x128xf32, #tpu.memory_space<vmem>>)
    %slice3A_307 = vector.extract_strided_slice %and3A_15 {offsets = [3], sizes = [1], strides = [1]} : vector<16xi32> to vector<1xi32>
    %squeeze3A_308 = vector.extract %slice3A_307[0] : i32 from vector<1xi32>
    %broadcast_in_dim3A_309 = vector.broadcast %squeeze3A_308 : i32 to vector<16xi32>
    %add3A_310 = arith.constant 0 : i32
    %add3A_311 = vector.broadcast %add3A_310 : i32 to vector<16xi32>
    %add3A_312 = arith.addi %iota3A, %add3A_311 : vector<16xi32>
    %gather3A_313 = tpu.vector_load_idx %arg12[%add3A_312, %broadcast_in_dim3A_309] : memref<64x128xf32, #tpu.memory_space<vmem>>[vector<16xi32>, vector<16xi32>], vector<16xf32>,
    %get3A_314 = arith.constant 3 : i32
    %get3A_315 = arith.index_cast %get3A_314 : i32 to index
    %get3A_316 = arith.constant 0 : index
    %get3A_317 = tpu.vector_load %arg7[%get3A_315, %get3A_316] {strides = array<i32>} : memref<16x64xf32, #tpu.memory_space<vmem>>, vector<16xf32>,
    %add3A_318 = arith.addf %gather3A_313, %get3A_317 : vector<16xf32>
    %swap3A_319 = arith.constant 3 : i32
    %swap3A_320 = arith.index_cast %swap3A_319 : i32 to index
    %swap3A_321 = arith.constant 0 : index
    %swap3A_322 = tpu.vector_load %arg8[%swap3A_320, %swap3A_321] {strides = array<i32>} : memref<16x64xf32, #tpu.memory_space<vmem>>, vector<16xf32>,
    tpu.vector_store %arg8[%swap3A_320, %swap3A_321], %add3A_318 {strides = array<i32>} : memref<16x64xf32, #tpu.memory_space<vmem>>, vector<16xf32>,
    %add3A_323 = arith.constant 16 : i32
    %add3A_324 = vector.broadcast %add3A_323 : i32 to vector<16xi32>
    %add3A_325 = arith.addi %iota3A, %add3A_324 : vector<16xi32>
    %gather3A_326 = tpu.vector_load_idx %arg12[%add3A_325, %broadcast_in_dim3A_309] : memref<64x128xf32, #tpu.memory_space<vmem>>[vector<16xi32>, vector<16xi32>], vector<16xf32>,
    %get3A_327 = arith.constant 3 : i32
    %get3A_328 = arith.index_cast %get3A_327 : i32 to index
    %get3A_329 = arith.constant 16 : index
    %get3A_330 = tpu.vector_load %arg7[%get3A_328, %get3A_329] {strides = array<i32>} : memref<16x64xf32, #tpu.memory_space<vmem>>, vector<16xf32>,
    %add3A_331 = arith.addf %gather3A_326, %get3A_330 : vector<16xf32>
    %swap3A_332 = arith.constant 3 : i32
    %swap3A_333 = arith.index_cast %swap3A_332 : i32 to index
    %swap3A_334 = arith.constant 16 : index
    %swap3A_335 = tpu.vector_load %arg8[%swap3A_333, %swap3A_334] {strides = array<i32>} : memref<16x64xf32, #tpu.memory_space<vmem>>, vector<16xf32>,
    tpu.vector_store %arg8[%swap3A_333, %swap3A_334], %add3A_331 {strides = array<i32>} : memref<16x64xf32, #tpu.memory_space<vmem>>, vector<16xf32>,
    %add3A_336 = arith.constant 32 : i32
    %add3A_337 = vector.broadcast %add3A_336 : i32 to vector<16xi32>
    %add3A_338 = arith.addi %iota3A, %add3A_337 : vector<16xi32>
    %gather3A_339 = tpu.vector_load_idx %arg12[%add3A_338, %broadcast_in_dim3A_309] : memref<64x128xf32, #tpu.memory_space<vmem>>[vector<16xi32>, vector<16xi32>], vector<16xf32>,
    %get3A_340 = arith.constant 3 : i32
    %get3A_341 = arith.index_cast %get3A_340 : i32 to index
    %get3A_342 = arith.constant 32 : index
    %get3A_343 = tpu.vector_load %arg7[%get3A_341, %get3A_342] {strides = array<i32>} : memref<16x64xf32, #tpu.memory_space<vmem>>, vector<16xf32>,
    %add3A_344 = arith.addf %gather3A_339, %get3A_343 : vector<16xf32>
    %swap3A_345 = arith.constant 3 : i32
    %swap3A_346 = arith.index_cast %swap3A_345 : i32 to index
    %swap3A_347 = arith.constant 32 : index
    %swap3A_348 = tpu.vector_load %arg8[%swap3A_346, %swap3A_347] {strides = array<i32>} : memref<16x64xf32, #tpu.memory_space<vmem>>, vector<16xf32>,
    tpu.vector_store %arg8[%swap3A_346, %swap3A_347], %add3A_344 {strides = array<i32>} : memref<16x64xf32, #tpu.memory_space<vmem>>, vector<16xf32>,
    %add3A_349 = arith.constant 48 : i32
    %add3A_350 = vector.broadcast %add3A_349 : i32 to vector<16xi32>
    %add3A_351 = arith.addi %iota3A, %add3A_350 : vector<16xi32>
    %gather3A_352 = tpu.vector_load_idx %arg12[%add3A_351, %broadcast_in_dim3A_309] : memref<64x128xf32, #tpu.memory_space<vmem>>[vector<16xi32>, vector<16xi32>], vector<16xf32>,
    %get3A_353 = arith.constant 3 : i32
    %get3A_354 = arith.index_cast %get3A_353 : i32 to index
    %get3A_355 = arith.constant 48 : index
    %get3A_356 = tpu.vector_load %arg7[%get3A_354, %get3A_355] {strides = array<i32>} : memref<16x64xf32, #tpu.memory_space<vmem>>, vector<16xf32>,
    %add3A_357 = arith.addf %gather3A_352, %get3A_356 : vector<16xf32>
    %swap3A_358 = arith.constant 3 : i32
    %swap3A_359 = arith.index_cast %swap3A_358 : i32 to index
    %swap3A_360 = arith.constant 48 : index
    %swap3A_361 = tpu.vector_load %arg8[%swap3A_359, %swap3A_360] {strides = array<i32>} : memref<16x64xf32, #tpu.memory_space<vmem>>, vector<16xf32>,
    tpu.vector_store %arg8[%swap3A_359, %swap3A_360], %add3A_357 {strides = array<i32>} : memref<16x64xf32, #tpu.memory_space<vmem>>, vector<16xf32>,
    %dma_wait3A_362 = arith.constant 0 : i32
    %dma_wait3A_363 = tpu.memref_slice %arg3[%dma_wait3A_362, %multiple_of3A_43] : memref<64x1000000xf32, #tpu.memory_space<hbm>> -> memref<64x128xf32, #tpu.memory_space<hbm>>
    %dma_wait3A_364 = arith.constant 0 : i32
    %dma_wait3A_365 = tpu.memref_slice %arg3[%dma_wait3A_364, %multiple_of3A_43] : memref<64x1000000xf32, #tpu.memory_space<hbm>> -> memref<64x128xf32, #tpu.memory_space<hbm>>
    tpu.wait_dma2 semaphore(%arg23 : memref<!tpu.dma_semaphore, #tpu.memory_space<semaphore_mem>>) src(%dma_wait3A_365 : memref<64x128xf32, #tpu.memory_space<hbm>>) dst(%arg13 : memref<64x128xf32, #tpu.memory_space<vmem>>)
    %slice3A_366 = vector.extract_strided_slice %and3A_15 {offsets = [4], sizes = [1], strides = [1]} : vector<16xi32> to vector<1xi32>
    %squeeze3A_367 = vector.extract %slice3A_366[0] : i32 from vector<1xi32>
    %broadcast_in_dim3A_368 = vector.broadcast %squeeze3A_367 : i32 to vector<16xi32>
    %add3A_369 = arith.constant 0 : i32
    %add3A_370 = vector.broadcast %add3A_369 : i32 to vector<16xi32>
    %add3A_371 = arith.addi %iota3A, %add3A_370 : vector<16xi32>
    %gather3A_372 = tpu.vector_load_idx %arg13[%add3A_371, %broadcast_in_dim3A_368] : memref<64x128xf32, #tpu.memory_space<vmem>>[vector<16xi32>, vector<16xi32>], vector<16xf32>,
    %get3A_373 = arith.constant 4 : i32
    %get3A_374 = arith.index_cast %get3A_373 : i32 to index
    %get3A_375 = arith.constant 0 : index
    %get3A_376 = tpu.vector_load %arg7[%get3A_374, %get3A_375] {strides = array<i32>} : memref<16x64xf32, #tpu.memory_space<vmem>>, vector<16xf32>,
    %add3A_377 = arith.addf %gather3A_372, %get3A_376 : vector<16xf32>
    %swap3A_378 = arith.constant 4 : i32
    %swap3A_379 = arith.index_cast %swap3A_378 : i32 to index
    %swap3A_380 = arith.constant 0 : index
    %swap3A_381 = tpu.vector_load %arg8[%swap3A_379, %swap3A_380] {strides = array<i32>} : memref<16x64xf32, #tpu.memory_space<vmem>>, vector<16xf32>,
    tpu.vector_store %arg8[%swap3A_379, %swap3A_380], %add3A_377 {strides = array<i32>} : memref<16x64xf32, #tpu.memory_space<vmem>>, vector<16xf32>,
    %add3A_382 = arith.constant 16 : i32
    %add3A_383 = vector.broadcast %add3A_382 : i32 to vector<16xi32>
    %add3A_384 = arith.addi %iota3A, %add3A_383 : vector<16xi32>
    %gather3A_385 = tpu.vector_load_idx %arg13[%add3A_384, %broadcast_in_dim3A_368] : memref<64x128xf32, #tpu.memory_space<vmem>>[vector<16xi32>, vector<16xi32>], vector<16xf32>,
    %get3A_386 = arith.constant 4 : i32
    %get3A_387 = arith.index_cast %get3A_386 : i32 to index
    %get3A_388 = arith.constant 16 : index
    %get3A_389 = tpu.vector_load %arg7[%get3A_387, %get3A_388] {strides = array<i32>} : memref<16x64xf32, #tpu.memory_space<vmem>>, vector<16xf32>,
    %add3A_390 = arith.addf %gather3A_385, %get3A_389 : vector<16xf32>
    %swap3A_391 = arith.constant 4 : i32
    %swap3A_392 = arith.index_cast %swap3A_391 : i32 to index
    %swap3A_393 = arith.constant 16 : index
    %swap3A_394 = tpu.vector_load %arg8[%swap3A_392, %swap3A_393] {strides = array<i32>} : memref<16x64xf32, #tpu.memory_space<vmem>>, vector<16xf32>,
    tpu.vector_store %arg8[%swap3A_392, %swap3A_393], %add3A_390 {strides = array<i32>} : memref<16x64xf32, #tpu.memory_space<vmem>>, vector<16xf32>,
    %add3A_395 = arith.constant 32 : i32
    %add3A_396 = vector.broadcast %add3A_395 : i32 to vector<16xi32>
    %add3A_397 = arith.addi %iota3A, %add3A_396 : vector<16xi32>
    %gather3A_398 = tpu.vector_load_idx %arg13[%add3A_397, %broadcast_in_dim3A_368] : memref<64x128xf32, #tpu.memory_space<vmem>>[vector<16xi32>, vector<16xi32>], vector<16xf32>,
    %get3A_399 = arith.constant 4 : i32
    %get3A_400 = arith.index_cast %get3A_399 : i32 to index
    %get3A_401 = arith.constant 32 : index
    %get3A_402 = tpu.vector_load %arg7[%get3A_400, %get3A_401] {strides = array<i32>} : memref<16x64xf32, #tpu.memory_space<vmem>>, vector<16xf32>,
    %add3A_403 = arith.addf %gather3A_398, %get3A_402 : vector<16xf32>
    %swap3A_404 = arith.constant 4 : i32
    %swap3A_405 = arith.index_cast %swap3A_404 : i32 to index
    %swap3A_406 = arith.constant 32 : index
    %swap3A_407 = tpu.vector_load %arg8[%swap3A_405, %swap3A_406] {strides = array<i32>} : memref<16x64xf32, #tpu.memory_space<vmem>>, vector<16xf32>,
    tpu.vector_store %arg8[%swap3A_405, %swap3A_406], %add3A_403 {strides = array<i32>} : memref<16x64xf32, #tpu.memory_space<vmem>>, vector<16xf32>,
    %add3A_408 = arith.constant 48 : i32
    %add3A_409 = vector.broadcast %add3A_408 : i32 to vector<16xi32>
    %add3A_410 = arith.addi %iota3A, %add3A_409 : vector<16xi32>
    %gather3A_411 = tpu.vector_load_idx %arg13[%add3A_410, %broadcast_in_dim3A_368] : memref<64x128xf32, #tpu.memory_space<vmem>>[vector<16xi32>, vector<16xi32>], vector<16xf32>,
    %get3A_412 = arith.constant 4 : i32
    %get3A_413 = arith.index_cast %get3A_412 : i32 to index
    %get3A_414 = arith.constant 48 : index
    %get3A_415 = tpu.vector_load %arg7[%get3A_413, %get3A_414] {strides = array<i32>} : memref<16x64xf32, #tpu.memory_space<vmem>>, vector<16xf32>,
    %add3A_416 = arith.addf %gather3A_411, %get3A_415 : vector<16xf32>
    %swap3A_417 = arith.constant 4 : i32
    %swap3A_418 = arith.index_cast %swap3A_417 : i32 to index
    %swap3A_419 = arith.constant 48 : index
    %swap3A_420 = tpu.vector_load %arg8[%swap3A_418, %swap3A_419] {strides = array<i32>} : memref<16x64xf32, #tpu.memory_space<vmem>>, vector<16xf32>,
    tpu.vector_store %arg8[%swap3A_418, %swap3A_419], %add3A_416 {strides = array<i32>} : memref<16x64xf32, #tpu.memory_space<vmem>>, vector<16xf32>,
    %dma_wait3A_421 = arith.constant 0 : i32
    %dma_wait3A_422 = tpu.memref_slice %arg3[%dma_wait3A_421, %multiple_of3A_50] : memref<64x1000000xf32, #tpu.memory_space<hbm>> -> memref<64x128xf32, #tpu.memory_space<hbm>>
    %dma_wait3A_423 = arith.constant 0 : i32
    %dma_wait3A_424 = tpu.memref_slice %arg3[%dma_wait3A_423, %multiple_of3A_50] : memref<64x1000000xf32, #tpu.memory_space<hbm>> -> memref<64x128xf32, #tpu.memory_space<hbm>>
    tpu.wait_dma2 semaphore(%arg23 : memref<!tpu.dma_semaphore, #tpu.memory_space<semaphore_mem>>) src(%dma_wait3A_424 : memref<64x128xf32, #tpu.memory_space<hbm>>) dst(%arg14 : memref<64x128xf32, #tpu.memory_space<vmem>>)
    %slice3A_425 = vector.extract_strided_slice %and3A_15 {offsets = [5], sizes = [1], strides = [1]} : vector<16xi32> to vector<1xi32>
    %squeeze3A_426 = vector.extract %slice3A_425[0] : i32 from vector<1xi32>
    %broadcast_in_dim3A_427 = vector.broadcast %squeeze3A_426 : i32 to vector<16xi32>
    %add3A_428 = arith.constant 0 : i32
    %add3A_429 = vector.broadcast %add3A_428 : i32 to vector<16xi32>
    %add3A_430 = arith.addi %iota3A, %add3A_429 : vector<16xi32>
    %gather3A_431 = tpu.vector_load_idx %arg14[%add3A_430, %broadcast_in_dim3A_427] : memref<64x128xf32, #tpu.memory_space<vmem>>[vector<16xi32>, vector<16xi32>], vector<16xf32>,
    %get3A_432 = arith.constant 5 : i32
    %get3A_433 = arith.index_cast %get3A_432 : i32 to index
    %get3A_434 = arith.constant 0 : index
    %get3A_435 = tpu.vector_load %arg7[%get3A_433, %get3A_434] {strides = array<i32>} : memref<16x64xf32, #tpu.memory_space<vmem>>, vector<16xf32>,
    %add3A_436 = arith.addf %gather3A_431, %get3A_435 : vector<16xf32>
    %swap3A_437 = arith.constant 5 : i32
    %swap3A_438 = arith.index_cast %swap3A_437 : i32 to index
    %swap3A_439 = arith.constant 0 : index
    %swap3A_440 = tpu.vector_load %arg8[%swap3A_438, %swap3A_439] {strides = array<i32>} : memref<16x64xf32, #tpu.memory_space<vmem>>, vector<16xf32>,
    tpu.vector_store %arg8[%swap3A_438, %swap3A_439], %add3A_436 {strides = array<i32>} : memref<16x64xf32, #tpu.memory_space<vmem>>, vector<16xf32>,
    %add3A_441 = arith.constant 16 : i32
    %add3A_442 = vector.broadcast %add3A_441 : i32 to vector<16xi32>
    %add3A_443 = arith.addi %iota3A, %add3A_442 : vector<16xi32>
    %gather3A_444 = tpu.vector_load_idx %arg14[%add3A_443, %broadcast_in_dim3A_427] : memref<64x128xf32, #tpu.memory_space<vmem>>[vector<16xi32>, vector<16xi32>], vector<16xf32>,
    %get3A_445 = arith.constant 5 : i32
    %get3A_446 = arith.index_cast %get3A_445 : i32 to index
    %get3A_447 = arith.constant 16 : index
    %get3A_448 = tpu.vector_load %arg7[%get3A_446, %get3A_447] {strides = array<i32>} : memref<16x64xf32, #tpu.memory_space<vmem>>, vector<16xf32>,
    %add3A_449 = arith.addf %gather3A_444, %get3A_448 : vector<16xf32>
    %swap3A_450 = arith.constant 5 : i32
    %swap3A_451 = arith.index_cast %swap3A_450 : i32 to index
    %swap3A_452 = arith.constant 16 : index
    %swap3A_453 = tpu.vector_load %arg8[%swap3A_451, %swap3A_452] {strides = array<i32>} : memref<16x64xf32, #tpu.memory_space<vmem>>, vector<16xf32>,
    tpu.vector_store %arg8[%swap3A_451, %swap3A_452], %add3A_449 {strides = array<i32>} : memref<16x64xf32, #tpu.memory_space<vmem>>, vector<16xf32>,
    %add3A_454 = arith.constant 32 : i32
    %add3A_455 = vector.broadcast %add3A_454 : i32 to vector<16xi32>
    %add3A_456 = arith.addi %iota3A, %add3A_455 : vector<16xi32>
    %gather3A_457 = tpu.vector_load_idx %arg14[%add3A_456, %broadcast_in_dim3A_427] : memref<64x128xf32, #tpu.memory_space<vmem>>[vector<16xi32>, vector<16xi32>], vector<16xf32>,
    %get3A_458 = arith.constant 5 : i32
    %get3A_459 = arith.index_cast %get3A_458 : i32 to index
    %get3A_460 = arith.constant 32 : index
    %get3A_461 = tpu.vector_load %arg7[%get3A_459, %get3A_460] {strides = array<i32>} : memref<16x64xf32, #tpu.memory_space<vmem>>, vector<16xf32>,
    %add3A_462 = arith.addf %gather3A_457, %get3A_461 : vector<16xf32>
    %swap3A_463 = arith.constant 5 : i32
    %swap3A_464 = arith.index_cast %swap3A_463 : i32 to index
    %swap3A_465 = arith.constant 32 : index
    %swap3A_466 = tpu.vector_load %arg8[%swap3A_464, %swap3A_465] {strides = array<i32>} : memref<16x64xf32, #tpu.memory_space<vmem>>, vector<16xf32>,
    tpu.vector_store %arg8[%swap3A_464, %swap3A_465], %add3A_462 {strides = array<i32>} : memref<16x64xf32, #tpu.memory_space<vmem>>, vector<16xf32>,
    %add3A_467 = arith.constant 48 : i32
    %add3A_468 = vector.broadcast %add3A_467 : i32 to vector<16xi32>
    %add3A_469 = arith.addi %iota3A, %add3A_468 : vector<16xi32>
    %gather3A_470 = tpu.vector_load_idx %arg14[%add3A_469, %broadcast_in_dim3A_427] : memref<64x128xf32, #tpu.memory_space<vmem>>[vector<16xi32>, vector<16xi32>], vector<16xf32>,
    %get3A_471 = arith.constant 5 : i32
    %get3A_472 = arith.index_cast %get3A_471 : i32 to index
    %get3A_473 = arith.constant 48 : index
    %get3A_474 = tpu.vector_load %arg7[%get3A_472, %get3A_473] {strides = array<i32>} : memref<16x64xf32, #tpu.memory_space<vmem>>, vector<16xf32>,
    %add3A_475 = arith.addf %gather3A_470, %get3A_474 : vector<16xf32>
    %swap3A_476 = arith.constant 5 : i32
    %swap3A_477 = arith.index_cast %swap3A_476 : i32 to index
    %swap3A_478 = arith.constant 48 : index
    %swap3A_479 = tpu.vector_load %arg8[%swap3A_477, %swap3A_478] {strides = array<i32>} : memref<16x64xf32, #tpu.memory_space<vmem>>, vector<16xf32>,
    tpu.vector_store %arg8[%swap3A_477, %swap3A_478], %add3A_475 {strides = array<i32>} : memref<16x64xf32, #tpu.memory_space<vmem>>, vector<16xf32>,
    %dma_wait3A_480 = arith.constant 0 : i32
    %dma_wait3A_481 = tpu.memref_slice %arg3[%dma_wait3A_480, %multiple_of3A_57] : memref<64x1000000xf32, #tpu.memory_space<hbm>> -> memref<64x128xf32, #tpu.memory_space<hbm>>
    %dma_wait3A_482 = arith.constant 0 : i32
    %dma_wait3A_483 = tpu.memref_slice %arg3[%dma_wait3A_482, %multiple_of3A_57] : memref<64x1000000xf32, #tpu.memory_space<hbm>> -> memref<64x128xf32, #tpu.memory_space<hbm>>
    tpu.wait_dma2 semaphore(%arg23 : memref<!tpu.dma_semaphore, #tpu.memory_space<semaphore_mem>>) src(%dma_wait3A_483 : memref<64x128xf32, #tpu.memory_space<hbm>>) dst(%arg15 : memref<64x128xf32, #tpu.memory_space<vmem>>)
    %slice3A_484 = vector.extract_strided_slice %and3A_15 {offsets = [6], sizes = [1], strides = [1]} : vector<16xi32> to vector<1xi32>
    %squeeze3A_485 = vector.extract %slice3A_484[0] : i32 from vector<1xi32>
    %broadcast_in_dim3A_486 = vector.broadcast %squeeze3A_485 : i32 to vector<16xi32>
    %add3A_487 = arith.constant 0 : i32
    %add3A_488 = vector.broadcast %add3A_487 : i32 to vector<16xi32>
    %add3A_489 = arith.addi %iota3A, %add3A_488 : vector<16xi32>
    %gather3A_490 = tpu.vector_load_idx %arg15[%add3A_489, %broadcast_in_dim3A_486] : memref<64x128xf32, #tpu.memory_space<vmem>>[vector<16xi32>, vector<16xi32>], vector<16xf32>,
    %get3A_491 = arith.constant 6 : i32
    %get3A_492 = arith.index_cast %get3A_491 : i32 to index
    %get3A_493 = arith.constant 0 : index
    %get3A_494 = tpu.vector_load %arg7[%get3A_492, %get3A_493] {strides = array<i32>} : memref<16x64xf32, #tpu.memory_space<vmem>>, vector<16xf32>,
    %add3A_495 = arith.addf %gather3A_490, %get3A_494 : vector<16xf32>
    %swap3A_496 = arith.constant 6 : i32
    %swap3A_497 = arith.index_cast %swap3A_496 : i32 to index
    %swap3A_498 = arith.constant 0 : index
    %swap3A_499 = tpu.vector_load %arg8[%swap3A_497, %swap3A_498] {strides = array<i32>} : memref<16x64xf32, #tpu.memory_space<vmem>>, vector<16xf32>,
    tpu.vector_store %arg8[%swap3A_497, %swap3A_498], %add3A_495 {strides = array<i32>} : memref<16x64xf32, #tpu.memory_space<vmem>>, vector<16xf32>,
    %add3A_500 = arith.constant 16 : i32
    %add3A_501 = vector.broadcast %add3A_500 : i32 to vector<16xi32>
    %add3A_502 = arith.addi %iota3A, %add3A_501 : vector<16xi32>
    %gather3A_503 = tpu.vector_load_idx %arg15[%add3A_502, %broadcast_in_dim3A_486] : memref<64x128xf32, #tpu.memory_space<vmem>>[vector<16xi32>, vector<16xi32>], vector<16xf32>,
    %get3A_504 = arith.constant 6 : i32
    %get3A_505 = arith.index_cast %get3A_504 : i32 to index
    %get3A_506 = arith.constant 16 : index
    %get3A_507 = tpu.vector_load %arg7[%get3A_505, %get3A_506] {strides = array<i32>} : memref<16x64xf32, #tpu.memory_space<vmem>>, vector<16xf32>,
    %add3A_508 = arith.addf %gather3A_503, %get3A_507 : vector<16xf32>
    %swap3A_509 = arith.constant 6 : i32
    %swap3A_510 = arith.index_cast %swap3A_509 : i32 to index
    %swap3A_511 = arith.constant 16 : index
    %swap3A_512 = tpu.vector_load %arg8[%swap3A_510, %swap3A_511] {strides = array<i32>} : memref<16x64xf32, #tpu.memory_space<vmem>>, vector<16xf32>,
    tpu.vector_store %arg8[%swap3A_510, %swap3A_511], %add3A_508 {strides = array<i32>} : memref<16x64xf32, #tpu.memory_space<vmem>>, vector<16xf32>,
    %add3A_513 = arith.constant 32 : i32
    %add3A_514 = vector.broadcast %add3A_513 : i32 to vector<16xi32>
    %add3A_515 = arith.addi %iota3A, %add3A_514 : vector<16xi32>
    %gather3A_516 = tpu.vector_load_idx %arg15[%add3A_515, %broadcast_in_dim3A_486] : memref<64x128xf32, #tpu.memory_space<vmem>>[vector<16xi32>, vector<16xi32>], vector<16xf32>,
    %get3A_517 = arith.constant 6 : i32
    %get3A_518 = arith.index_cast %get3A_517 : i32 to index
    %get3A_519 = arith.constant 32 : index
    %get3A_520 = tpu.vector_load %arg7[%get3A_518, %get3A_519] {strides = array<i32>} : memref<16x64xf32, #tpu.memory_space<vmem>>, vector<16xf32>,
    %add3A_521 = arith.addf %gather3A_516, %get3A_520 : vector<16xf32>
    %swap3A_522 = arith.constant 6 : i32
    %swap3A_523 = arith.index_cast %swap3A_522 : i32 to index
    %swap3A_524 = arith.constant 32 : index
    %swap3A_525 = tpu.vector_load %arg8[%swap3A_523, %swap3A_524] {strides = array<i32>} : memref<16x64xf32, #tpu.memory_space<vmem>>, vector<16xf32>,
    tpu.vector_store %arg8[%swap3A_523, %swap3A_524], %add3A_521 {strides = array<i32>} : memref<16x64xf32, #tpu.memory_space<vmem>>, vector<16xf32>,
    %add3A_526 = arith.constant 48 : i32
    %add3A_527 = vector.broadcast %add3A_526 : i32 to vector<16xi32>
    %add3A_528 = arith.addi %iota3A, %add3A_527 : vector<16xi32>
    %gather3A_529 = tpu.vector_load_idx %arg15[%add3A_528, %broadcast_in_dim3A_486] : memref<64x128xf32, #tpu.memory_space<vmem>>[vector<16xi32>, vector<16xi32>], vector<16xf32>,
    %get3A_530 = arith.constant 6 : i32
    %get3A_531 = arith.index_cast %get3A_530 : i32 to index
    %get3A_532 = arith.constant 48 : index
    %get3A_533 = tpu.vector_load %arg7[%get3A_531, %get3A_532] {strides = array<i32>} : memref<16x64xf32, #tpu.memory_space<vmem>>, vector<16xf32>,
    %add3A_534 = arith.addf %gather3A_529, %get3A_533 : vector<16xf32>
    %swap3A_535 = arith.constant 6 : i32
    %swap3A_536 = arith.index_cast %swap3A_535 : i32 to index
    %swap3A_537 = arith.constant 48 : index
    %swap3A_538 = tpu.vector_load %arg8[%swap3A_536, %swap3A_537] {strides = array<i32>} : memref<16x64xf32, #tpu.memory_space<vmem>>, vector<16xf32>,
    tpu.vector_store %arg8[%swap3A_536, %swap3A_537], %add3A_534 {strides = array<i32>} : memref<16x64xf32, #tpu.memory_space<vmem>>, vector<16xf32>,
    %dma_wait3A_539 = arith.constant 0 : i32
    %dma_wait3A_540 = tpu.memref_slice %arg3[%dma_wait3A_539, %multiple_of3A_64] : memref<64x1000000xf32, #tpu.memory_space<hbm>> -> memref<64x128xf32, #tpu.memory_space<hbm>>
    %dma_wait3A_541 = arith.constant 0 : i32
    %dma_wait3A_542 = tpu.memref_slice %arg3[%dma_wait3A_541, %multiple_of3A_64] : memref<64x1000000xf32, #tpu.memory_space<hbm>> -> memref<64x128xf32, #tpu.memory_space<hbm>>
    tpu.wait_dma2 semaphore(%arg23 : memref<!tpu.dma_semaphore, #tpu.memory_space<semaphore_mem>>) src(%dma_wait3A_542 : memref<64x128xf32, #tpu.memory_space<hbm>>) dst(%arg16 : memref<64x128xf32, #tpu.memory_space<vmem>>)
    %slice3A_543 = vector.extract_strided_slice %and3A_15 {offsets = [7], sizes = [1], strides = [1]} : vector<16xi32> to vector<1xi32>
    %squeeze3A_544 = vector.extract %slice3A_543[0] : i32 from vector<1xi32>
    %broadcast_in_dim3A_545 = vector.broadcast %squeeze3A_544 : i32 to vector<16xi32>
    %add3A_546 = arith.constant 0 : i32
    %add3A_547 = vector.broadcast %add3A_546 : i32 to vector<16xi32>
    %add3A_548 = arith.addi %iota3A, %add3A_547 : vector<16xi32>
    %gather3A_549 = tpu.vector_load_idx %arg16[%add3A_548, %broadcast_in_dim3A_545] : memref<64x128xf32, #tpu.memory_space<vmem>>[vector<16xi32>, vector<16xi32>], vector<16xf32>,
    %get3A_550 = arith.constant 7 : i32
    %get3A_551 = arith.index_cast %get3A_550 : i32 to index
    %get3A_552 = arith.constant 0 : index
    %get3A_553 = tpu.vector_load %arg7[%get3A_551, %get3A_552] {strides = array<i32>} : memref<16x64xf32, #tpu.memory_space<vmem>>, vector<16xf32>,
    %add3A_554 = arith.addf %gather3A_549, %get3A_553 : vector<16xf32>
    %swap3A_555 = arith.constant 7 : i32
    %swap3A_556 = arith.index_cast %swap3A_555 : i32 to index
    %swap3A_557 = arith.constant 0 : index
    %swap3A_558 = tpu.vector_load %arg8[%swap3A_556, %swap3A_557] {strides = array<i32>} : memref<16x64xf32, #tpu.memory_space<vmem>>, vector<16xf32>,
    tpu.vector_store %arg8[%swap3A_556, %swap3A_557], %add3A_554 {strides = array<i32>} : memref<16x64xf32, #tpu.memory_space<vmem>>, vector<16xf32>,
    %add3A_559 = arith.constant 16 : i32
    %add3A_560 = vector.broadcast %add3A_559 : i32 to vector<16xi32>
    %add3A_561 = arith.addi %iota3A, %add3A_560 : vector<16xi32>
    %gather3A_562 = tpu.vector_load_idx %arg16[%add3A_561, %broadcast_in_dim3A_545] : memref<64x128xf32, #tpu.memory_space<vmem>>[vector<16xi32>, vector<16xi32>], vector<16xf32>,
    %get3A_563 = arith.constant 7 : i32
    %get3A_564 = arith.index_cast %get3A_563 : i32 to index
    %get3A_565 = arith.constant 16 : index
    %get3A_566 = tpu.vector_load %arg7[%get3A_564, %get3A_565] {strides = array<i32>} : memref<16x64xf32, #tpu.memory_space<vmem>>, vector<16xf32>,
    %add3A_567 = arith.addf %gather3A_562, %get3A_566 : vector<16xf32>
    %swap3A_568 = arith.constant 7 : i32
    %swap3A_569 = arith.index_cast %swap3A_568 : i32 to index
    %swap3A_570 = arith.constant 16 : index
    %swap3A_571 = tpu.vector_load %arg8[%swap3A_569, %swap3A_570] {strides = array<i32>} : memref<16x64xf32, #tpu.memory_space<vmem>>, vector<16xf32>,
    tpu.vector_store %arg8[%swap3A_569, %swap3A_570], %add3A_567 {strides = array<i32>} : memref<16x64xf32, #tpu.memory_space<vmem>>, vector<16xf32>,
    %add3A_572 = arith.constant 32 : i32
    %add3A_573 = vector.broadcast %add3A_572 : i32 to vector<16xi32>
    %add3A_574 = arith.addi %iota3A, %add3A_573 : vector<16xi32>
    %gather3A_575 = tpu.vector_load_idx %arg16[%add3A_574, %broadcast_in_dim3A_545] : memref<64x128xf32, #tpu.memory_space<vmem>>[vector<16xi32>, vector<16xi32>], vector<16xf32>,
    %get3A_576 = arith.constant 7 : i32
    %get3A_577 = arith.index_cast %get3A_576 : i32 to index
    %get3A_578 = arith.constant 32 : index
    %get3A_579 = tpu.vector_load %arg7[%get3A_577, %get3A_578] {strides = array<i32>} : memref<16x64xf32, #tpu.memory_space<vmem>>, vector<16xf32>,
    %add3A_580 = arith.addf %gather3A_575, %get3A_579 : vector<16xf32>
    %swap3A_581 = arith.constant 7 : i32
    %swap3A_582 = arith.index_cast %swap3A_581 : i32 to index
    %swap3A_583 = arith.constant 32 : index
    %swap3A_584 = tpu.vector_load %arg8[%swap3A_582, %swap3A_583] {strides = array<i32>} : memref<16x64xf32, #tpu.memory_space<vmem>>, vector<16xf32>,
    tpu.vector_store %arg8[%swap3A_582, %swap3A_583], %add3A_580 {strides = array<i32>} : memref<16x64xf32, #tpu.memory_space<vmem>>, vector<16xf32>,
    %add3A_585 = arith.constant 48 : i32
    %add3A_586 = vector.broadcast %add3A_585 : i32 to vector<16xi32>
    %add3A_587 = arith.addi %iota3A, %add3A_586 : vector<16xi32>
    %gather3A_588 = tpu.vector_load_idx %arg16[%add3A_587, %broadcast_in_dim3A_545] : memref<64x128xf32, #tpu.memory_space<vmem>>[vector<16xi32>, vector<16xi32>], vector<16xf32>,
    %get3A_589 = arith.constant 7 : i32
    %get3A_590 = arith.index_cast %get3A_589 : i32 to index
    %get3A_591 = arith.constant 48 : index
    %get3A_592 = tpu.vector_load %arg7[%get3A_590, %get3A_591] {strides = array<i32>} : memref<16x64xf32, #tpu.memory_space<vmem>>, vector<16xf32>,
    %add3A_593 = arith.addf %gather3A_588, %get3A_592 : vector<16xf32>
    %swap3A_594 = arith.constant 7 : i32
    %swap3A_595 = arith.index_cast %swap3A_594 : i32 to index
    %swap3A_596 = arith.constant 48 : index
    %swap3A_597 = tpu.vector_load %arg8[%swap3A_595, %swap3A_596] {strides = array<i32>} : memref<16x64xf32, #tpu.memory_space<vmem>>, vector<16xf32>,
    tpu.vector_store %arg8[%swap3A_595, %swap3A_596], %add3A_593 {strides = array<i32>} : memref<16x64xf32, #tpu.memory_space<vmem>>, vector<16xf32>,
    %dma_wait3A_598 = arith.constant 0 : i32
    %dma_wait3A_599 = tpu.memref_slice %arg3[%dma_wait3A_598, %multiple_of3A_71] : memref<64x1000000xf32, #tpu.memory_space<hbm>> -> memref<64x128xf32, #tpu.memory_space<hbm>>
    %dma_wait3A_600 = arith.constant 0 : i32
    %dma_wait3A_601 = tpu.memref_slice %arg3[%dma_wait3A_600, %multiple_of3A_71] : memref<64x1000000xf32, #tpu.memory_space<hbm>> -> memref<64x128xf32, #tpu.memory_space<hbm>>
    tpu.wait_dma2 semaphore(%arg23 : memref<!tpu.dma_semaphore, #tpu.memory_space<semaphore_mem>>) src(%dma_wait3A_601 : memref<64x128xf32, #tpu.memory_space<hbm>>) dst(%arg17 : memref<64x128xf32, #tpu.memory_space<vmem>>)
    %slice3A_602 = vector.extract_strided_slice %and3A_15 {offsets = [8], sizes = [1], strides = [1]} : vector<16xi32> to vector<1xi32>
    %squeeze3A_603 = vector.extract %slice3A_602[0] : i32 from vector<1xi32>
    %broadcast_in_dim3A_604 = vector.broadcast %squeeze3A_603 : i32 to vector<16xi32>
    %add3A_605 = arith.constant 0 : i32
    %add3A_606 = vector.broadcast %add3A_605 : i32 to vector<16xi32>
    %add3A_607 = arith.addi %iota3A, %add3A_606 : vector<16xi32>
    %gather3A_608 = tpu.vector_load_idx %arg17[%add3A_607, %broadcast_in_dim3A_604] : memref<64x128xf32, #tpu.memory_space<vmem>>[vector<16xi32>, vector<16xi32>], vector<16xf32>,
    %get3A_609 = arith.constant 8 : i32
    %get3A_610 = arith.index_cast %get3A_609 : i32 to index
    %get3A_611 = arith.constant 0 : index
    %get3A_612 = tpu.vector_load %arg7[%get3A_610, %get3A_611] {strides = array<i32>} : memref<16x64xf32, #tpu.memory_space<vmem>>, vector<16xf32>,
    %add3A_613 = arith.addf %gather3A_608, %get3A_612 : vector<16xf32>
    %swap3A_614 = arith.constant 8 : i32
    %swap3A_615 = arith.index_cast %swap3A_614 : i32 to index
    %swap3A_616 = arith.constant 0 : index
    %swap3A_617 = tpu.vector_load %arg8[%swap3A_615, %swap3A_616] {strides = array<i32>} : memref<16x64xf32, #tpu.memory_space<vmem>>, vector<16xf32>,
    tpu.vector_store %arg8[%swap3A_615, %swap3A_616], %add3A_613 {strides = array<i32>} : memref<16x64xf32, #tpu.memory_space<vmem>>, vector<16xf32>,
    %add3A_618 = arith.constant 16 : i32
    %add3A_619 = vector.broadcast %add3A_618 : i32 to vector<16xi32>
    %add3A_620 = arith.addi %iota3A, %add3A_619 : vector<16xi32>
    %gather3A_621 = tpu.vector_load_idx %arg17[%add3A_620, %broadcast_in_dim3A_604] : memref<64x128xf32, #tpu.memory_space<vmem>>[vector<16xi32>, vector<16xi32>], vector<16xf32>,
    %get3A_622 = arith.constant 8 : i32
    %get3A_623 = arith.index_cast %get3A_622 : i32 to index
    %get3A_624 = arith.constant 16 : index
    %get3A_625 = tpu.vector_load %arg7[%get3A_623, %get3A_624] {strides = array<i32>} : memref<16x64xf32, #tpu.memory_space<vmem>>, vector<16xf32>,
    %add3A_626 = arith.addf %gather3A_621, %get3A_625 : vector<16xf32>
    %swap3A_627 = arith.constant 8 : i32
    %swap3A_628 = arith.index_cast %swap3A_627 : i32 to index
    %swap3A_629 = arith.constant 16 : index
    %swap3A_630 = tpu.vector_load %arg8[%swap3A_628, %swap3A_629] {strides = array<i32>} : memref<16x64xf32, #tpu.memory_space<vmem>>, vector<16xf32>,
    tpu.vector_store %arg8[%swap3A_628, %swap3A_629], %add3A_626 {strides = array<i32>} : memref<16x64xf32, #tpu.memory_space<vmem>>, vector<16xf32>,
    %add3A_631 = arith.constant 32 : i32
    %add3A_632 = vector.broadcast %add3A_631 : i32 to vector<16xi32>
    %add3A_633 = arith.addi %iota3A, %add3A_632 : vector<16xi32>
    %gather3A_634 = tpu.vector_load_idx %arg17[%add3A_633, %broadcast_in_dim3A_604] : memref<64x128xf32, #tpu.memory_space<vmem>>[vector<16xi32>, vector<16xi32>], vector<16xf32>,
    %get3A_635 = arith.constant 8 : i32
    %get3A_636 = arith.index_cast %get3A_635 : i32 to index
    %get3A_637 = arith.constant 32 : index
    %get3A_638 = tpu.vector_load %arg7[%get3A_636, %get3A_637] {strides = array<i32>} : memref<16x64xf32, #tpu.memory_space<vmem>>, vector<16xf32>,
    %add3A_639 = arith.addf %gather3A_634, %get3A_638 : vector<16xf32>
    %swap3A_640 = arith.constant 8 : i32
    %swap3A_641 = arith.index_cast %swap3A_640 : i32 to index
    %swap3A_642 = arith.constant 32 : index
    %swap3A_643 = tpu.vector_load %arg8[%swap3A_641, %swap3A_642] {strides = array<i32>} : memref<16x64xf32, #tpu.memory_space<vmem>>, vector<16xf32>,
    tpu.vector_store %arg8[%swap3A_641, %swap3A_642], %add3A_639 {strides = array<i32>} : memref<16x64xf32, #tpu.memory_space<vmem>>, vector<16xf32>,
    %add3A_644 = arith.constant 48 : i32
    %add3A_645 = vector.broadcast %add3A_644 : i32 to vector<16xi32>
    %add3A_646 = arith.addi %iota3A, %add3A_645 : vector<16xi32>
    %gather3A_647 = tpu.vector_load_idx %arg17[%add3A_646, %broadcast_in_dim3A_604] : memref<64x128xf32, #tpu.memory_space<vmem>>[vector<16xi32>, vector<16xi32>], vector<16xf32>,
    %get3A_648 = arith.constant 8 : i32
    %get3A_649 = arith.index_cast %get3A_648 : i32 to index
    %get3A_650 = arith.constant 48 : index
    %get3A_651 = tpu.vector_load %arg7[%get3A_649, %get3A_650] {strides = array<i32>} : memref<16x64xf32, #tpu.memory_space<vmem>>, vector<16xf32>,
    %add3A_652 = arith.addf %gather3A_647, %get3A_651 : vector<16xf32>
    %swap3A_653 = arith.constant 8 : i32
    %swap3A_654 = arith.index_cast %swap3A_653 : i32 to index
    %swap3A_655 = arith.constant 48 : index
    %swap3A_656 = tpu.vector_load %arg8[%swap3A_654, %swap3A_655] {strides = array<i32>} : memref<16x64xf32, #tpu.memory_space<vmem>>, vector<16xf32>,
    tpu.vector_store %arg8[%swap3A_654, %swap3A_655], %add3A_652 {strides = array<i32>} : memref<16x64xf32, #tpu.memory_space<vmem>>, vector<16xf32>,
    %dma_wait3A_657 = arith.constant 0 : i32
    %dma_wait3A_658 = tpu.memref_slice %arg3[%dma_wait3A_657, %multiple_of3A_78] : memref<64x1000000xf32, #tpu.memory_space<hbm>> -> memref<64x128xf32, #tpu.memory_space<hbm>>
    %dma_wait3A_659 = arith.constant 0 : i32
    %dma_wait3A_660 = tpu.memref_slice %arg3[%dma_wait3A_659, %multiple_of3A_78] : memref<64x1000000xf32, #tpu.memory_space<hbm>> -> memref<64x128xf32, #tpu.memory_space<hbm>>
    tpu.wait_dma2 semaphore(%arg23 : memref<!tpu.dma_semaphore, #tpu.memory_space<semaphore_mem>>) src(%dma_wait3A_660 : memref<64x128xf32, #tpu.memory_space<hbm>>) dst(%arg18 : memref<64x128xf32, #tpu.memory_space<vmem>>)
    %slice3A_661 = vector.extract_strided_slice %and3A_15 {offsets = [9], sizes = [1], strides = [1]} : vector<16xi32> to vector<1xi32>
    %squeeze3A_662 = vector.extract %slice3A_661[0] : i32 from vector<1xi32>
    %broadcast_in_dim3A_663 = vector.broadcast %squeeze3A_662 : i32 to vector<16xi32>
    %add3A_664 = arith.constant 0 : i32
    %add3A_665 = vector.broadcast %add3A_664 : i32 to vector<16xi32>
    %add3A_666 = arith.addi %iota3A, %add3A_665 : vector<16xi32>
    %gather3A_667 = tpu.vector_load_idx %arg18[%add3A_666, %broadcast_in_dim3A_663] : memref<64x128xf32, #tpu.memory_space<vmem>>[vector<16xi32>, vector<16xi32>], vector<16xf32>,
    %get3A_668 = arith.constant 9 : i32
    %get3A_669 = arith.index_cast %get3A_668 : i32 to index
    %get3A_670 = arith.constant 0 : index
    %get3A_671 = tpu.vector_load %arg7[%get3A_669, %get3A_670] {strides = array<i32>} : memref<16x64xf32, #tpu.memory_space<vmem>>, vector<16xf32>,
    %add3A_672 = arith.addf %gather3A_667, %get3A_671 : vector<16xf32>
    %swap3A_673 = arith.constant 9 : i32
    %swap3A_674 = arith.index_cast %swap3A_673 : i32 to index
    %swap3A_675 = arith.constant 0 : index
    %swap3A_676 = tpu.vector_load %arg8[%swap3A_674, %swap3A_675] {strides = array<i32>} : memref<16x64xf32, #tpu.memory_space<vmem>>, vector<16xf32>,
    tpu.vector_store %arg8[%swap3A_674, %swap3A_675], %add3A_672 {strides = array<i32>} : memref<16x64xf32, #tpu.memory_space<vmem>>, vector<16xf32>,
    %add3A_677 = arith.constant 16 : i32
    %add3A_678 = vector.broadcast %add3A_677 : i32 to vector<16xi32>
    %add3A_679 = arith.addi %iota3A, %add3A_678 : vector<16xi32>
    %gather3A_680 = tpu.vector_load_idx %arg18[%add3A_679, %broadcast_in_dim3A_663] : memref<64x128xf32, #tpu.memory_space<vmem>>[vector<16xi32>, vector<16xi32>], vector<16xf32>,
    %get3A_681 = arith.constant 9 : i32
    %get3A_682 = arith.index_cast %get3A_681 : i32 to index
    %get3A_683 = arith.constant 16 : index
    %get3A_684 = tpu.vector_load %arg7[%get3A_682, %get3A_683] {strides = array<i32>} : memref<16x64xf32, #tpu.memory_space<vmem>>, vector<16xf32>,
    %add3A_685 = arith.addf %gather3A_680, %get3A_684 : vector<16xf32>
    %swap3A_686 = arith.constant 9 : i32
    %swap3A_687 = arith.index_cast %swap3A_686 : i32 to index
    %swap3A_688 = arith.constant 16 : index
    %swap3A_689 = tpu.vector_load %arg8[%swap3A_687, %swap3A_688] {strides = array<i32>} : memref<16x64xf32, #tpu.memory_space<vmem>>, vector<16xf32>,
    tpu.vector_store %arg8[%swap3A_687, %swap3A_688], %add3A_685 {strides = array<i32>} : memref<16x64xf32, #tpu.memory_space<vmem>>, vector<16xf32>,
    %add3A_690 = arith.constant 32 : i32
    %add3A_691 = vector.broadcast %add3A_690 : i32 to vector<16xi32>
    %add3A_692 = arith.addi %iota3A, %add3A_691 : vector<16xi32>
    %gather3A_693 = tpu.vector_load_idx %arg18[%add3A_692, %broadcast_in_dim3A_663] : memref<64x128xf32, #tpu.memory_space<vmem>>[vector<16xi32>, vector<16xi32>], vector<16xf32>,
    %get3A_694 = arith.constant 9 : i32
    %get3A_695 = arith.index_cast %get3A_694 : i32 to index
    %get3A_696 = arith.constant 32 : index
    %get3A_697 = tpu.vector_load %arg7[%get3A_695, %get3A_696] {strides = array<i32>} : memref<16x64xf32, #tpu.memory_space<vmem>>, vector<16xf32>,
    %add3A_698 = arith.addf %gather3A_693, %get3A_697 : vector<16xf32>
    %swap3A_699 = arith.constant 9 : i32
    %swap3A_700 = arith.index_cast %swap3A_699 : i32 to index
    %swap3A_701 = arith.constant 32 : index
    %swap3A_702 = tpu.vector_load %arg8[%swap3A_700, %swap3A_701] {strides = array<i32>} : memref<16x64xf32, #tpu.memory_space<vmem>>, vector<16xf32>,
    tpu.vector_store %arg8[%swap3A_700, %swap3A_701], %add3A_698 {strides = array<i32>} : memref<16x64xf32, #tpu.memory_space<vmem>>, vector<16xf32>,
    %add3A_703 = arith.constant 48 : i32
    %add3A_704 = vector.broadcast %add3A_703 : i32 to vector<16xi32>
    %add3A_705 = arith.addi %iota3A, %add3A_704 : vector<16xi32>
    %gather3A_706 = tpu.vector_load_idx %arg18[%add3A_705, %broadcast_in_dim3A_663] : memref<64x128xf32, #tpu.memory_space<vmem>>[vector<16xi32>, vector<16xi32>], vector<16xf32>,
    %get3A_707 = arith.constant 9 : i32
    %get3A_708 = arith.index_cast %get3A_707 : i32 to index
    %get3A_709 = arith.constant 48 : index
    %get3A_710 = tpu.vector_load %arg7[%get3A_708, %get3A_709] {strides = array<i32>} : memref<16x64xf32, #tpu.memory_space<vmem>>, vector<16xf32>,
    %add3A_711 = arith.addf %gather3A_706, %get3A_710 : vector<16xf32>
    %swap3A_712 = arith.constant 9 : i32
    %swap3A_713 = arith.index_cast %swap3A_712 : i32 to index
    %swap3A_714 = arith.constant 48 : index
    %swap3A_715 = tpu.vector_load %arg8[%swap3A_713, %swap3A_714] {strides = array<i32>} : memref<16x64xf32, #tpu.memory_space<vmem>>, vector<16xf32>,
    tpu.vector_store %arg8[%swap3A_713, %swap3A_714], %add3A_711 {strides = array<i32>} : memref<16x64xf32, #tpu.memory_space<vmem>>, vector<16xf32>,
    %dma_wait3A_716 = arith.constant 0 : i32
    %dma_wait3A_717 = tpu.memref_slice %arg3[%dma_wait3A_716, %multiple_of3A_85] : memref<64x1000000xf32, #tpu.memory_space<hbm>> -> memref<64x128xf32, #tpu.memory_space<hbm>>
    %dma_wait3A_718 = arith.constant 0 : i32
    %dma_wait3A_719 = tpu.memref_slice %arg3[%dma_wait3A_718, %multiple_of3A_85] : memref<64x1000000xf32, #tpu.memory_space<hbm>> -> memref<64x128xf32, #tpu.memory_space<hbm>>
    tpu.wait_dma2 semaphore(%arg23 : memref<!tpu.dma_semaphore, #tpu.memory_space<semaphore_mem>>) src(%dma_wait3A_719 : memref<64x128xf32, #tpu.memory_space<hbm>>) dst(%arg19 : memref<64x128xf32, #tpu.memory_space<vmem>>)
    %slice3A_720 = vector.extract_strided_slice %and3A_15 {offsets = [10], sizes = [1], strides = [1]} : vector<16xi32> to vector<1xi32>
    %squeeze3A_721 = vector.extract %slice3A_720[0] : i32 from vector<1xi32>
    %broadcast_in_dim3A_722 = vector.broadcast %squeeze3A_721 : i32 to vector<16xi32>
    %add3A_723 = arith.constant 0 : i32
    %add3A_724 = vector.broadcast %add3A_723 : i32 to vector<16xi32>
    %add3A_725 = arith.addi %iota3A, %add3A_724 : vector<16xi32>
    %gather3A_726 = tpu.vector_load_idx %arg19[%add3A_725, %broadcast_in_dim3A_722] : memref<64x128xf32, #tpu.memory_space<vmem>>[vector<16xi32>, vector<16xi32>], vector<16xf32>,
    %get3A_727 = arith.constant 10 : i32
    %get3A_728 = arith.index_cast %get3A_727 : i32 to index
    %get3A_729 = arith.constant 0 : index
    %get3A_730 = tpu.vector_load %arg7[%get3A_728, %get3A_729] {strides = array<i32>} : memref<16x64xf32, #tpu.memory_space<vmem>>, vector<16xf32>,
    %add3A_731 = arith.addf %gather3A_726, %get3A_730 : vector<16xf32>
    %swap3A_732 = arith.constant 10 : i32
    %swap3A_733 = arith.index_cast %swap3A_732 : i32 to index
    %swap3A_734 = arith.constant 0 : index
    %swap3A_735 = tpu.vector_load %arg8[%swap3A_733, %swap3A_734] {strides = array<i32>} : memref<16x64xf32, #tpu.memory_space<vmem>>, vector<16xf32>,
    tpu.vector_store %arg8[%swap3A_733, %swap3A_734], %add3A_731 {strides = array<i32>} : memref<16x64xf32, #tpu.memory_space<vmem>>, vector<16xf32>,
    %add3A_736 = arith.constant 16 : i32
    %add3A_737 = vector.broadcast %add3A_736 : i32 to vector<16xi32>
    %add3A_738 = arith.addi %iota3A, %add3A_737 : vector<16xi32>
    %gather3A_739 = tpu.vector_load_idx %arg19[%add3A_738, %broadcast_in_dim3A_722] : memref<64x128xf32, #tpu.memory_space<vmem>>[vector<16xi32>, vector<16xi32>], vector<16xf32>,
    %get3A_740 = arith.constant 10 : i32
    %get3A_741 = arith.index_cast %get3A_740 : i32 to index
    %get3A_742 = arith.constant 16 : index
    %get3A_743 = tpu.vector_load %arg7[%get3A_741, %get3A_742] {strides = array<i32>} : memref<16x64xf32, #tpu.memory_space<vmem>>, vector<16xf32>,
    %add3A_744 = arith.addf %gather3A_739, %get3A_743 : vector<16xf32>
    %swap3A_745 = arith.constant 10 : i32
    %swap3A_746 = arith.index_cast %swap3A_745 : i32 to index
    %swap3A_747 = arith.constant 16 : index
    %swap3A_748 = tpu.vector_load %arg8[%swap3A_746, %swap3A_747] {strides = array<i32>} : memref<16x64xf32, #tpu.memory_space<vmem>>, vector<16xf32>,
    tpu.vector_store %arg8[%swap3A_746, %swap3A_747], %add3A_744 {strides = array<i32>} : memref<16x64xf32, #tpu.memory_space<vmem>>, vector<16xf32>,
    %add3A_749 = arith.constant 32 : i32
    %add3A_750 = vector.broadcast %add3A_749 : i32 to vector<16xi32>
    %add3A_751 = arith.addi %iota3A, %add3A_750 : vector<16xi32>
    %gather3A_752 = tpu.vector_load_idx %arg19[%add3A_751, %broadcast_in_dim3A_722] : memref<64x128xf32, #tpu.memory_space<vmem>>[vector<16xi32>, vector<16xi32>], vector<16xf32>,
    %get3A_753 = arith.constant 10 : i32
    %get3A_754 = arith.index_cast %get3A_753 : i32 to index
    %get3A_755 = arith.constant 32 : index
    %get3A_756 = tpu.vector_load %arg7[%get3A_754, %get3A_755] {strides = array<i32>} : memref<16x64xf32, #tpu.memory_space<vmem>>, vector<16xf32>,
    %add3A_757 = arith.addf %gather3A_752, %get3A_756 : vector<16xf32>
    %swap3A_758 = arith.constant 10 : i32
    %swap3A_759 = arith.index_cast %swap3A_758 : i32 to index
    %swap3A_760 = arith.constant 32 : index
    %swap3A_761 = tpu.vector_load %arg8[%swap3A_759, %swap3A_760] {strides = array<i32>} : memref<16x64xf32, #tpu.memory_space<vmem>>, vector<16xf32>,
    tpu.vector_store %arg8[%swap3A_759, %swap3A_760], %add3A_757 {strides = array<i32>} : memref<16x64xf32, #tpu.memory_space<vmem>>, vector<16xf32>,
    %add3A_762 = arith.constant 48 : i32
    %add3A_763 = vector.broadcast %add3A_762 : i32 to vector<16xi32>
    %add3A_764 = arith.addi %iota3A, %add3A_763 : vector<16xi32>
    %gather3A_765 = tpu.vector_load_idx %arg19[%add3A_764, %broadcast_in_dim3A_722] : memref<64x128xf32, #tpu.memory_space<vmem>>[vector<16xi32>, vector<16xi32>], vector<16xf32>,
    %get3A_766 = arith.constant 10 : i32
    %get3A_767 = arith.index_cast %get3A_766 : i32 to index
    %get3A_768 = arith.constant 48 : index
    %get3A_769 = tpu.vector_load %arg7[%get3A_767, %get3A_768] {strides = array<i32>} : memref<16x64xf32, #tpu.memory_space<vmem>>, vector<16xf32>,
    %add3A_770 = arith.addf %gather3A_765, %get3A_769 : vector<16xf32>
    %swap3A_771 = arith.constant 10 : i32
    %swap3A_772 = arith.index_cast %swap3A_771 : i32 to index
    %swap3A_773 = arith.constant 48 : index
    %swap3A_774 = tpu.vector_load %arg8[%swap3A_772, %swap3A_773] {strides = array<i32>} : memref<16x64xf32, #tpu.memory_space<vmem>>, vector<16xf32>,
    tpu.vector_store %arg8[%swap3A_772, %swap3A_773], %add3A_770 {strides = array<i32>} : memref<16x64xf32, #tpu.memory_space<vmem>>, vector<16xf32>,
    %dma_wait3A_775 = arith.constant 0 : i32
    %dma_wait3A_776 = tpu.memref_slice %arg3[%dma_wait3A_775, %multiple_of3A_92] : memref<64x1000000xf32, #tpu.memory_space<hbm>> -> memref<64x128xf32, #tpu.memory_space<hbm>>
    %dma_wait3A_777 = arith.constant 0 : i32
    %dma_wait3A_778 = tpu.memref_slice %arg3[%dma_wait3A_777, %multiple_of3A_92] : memref<64x1000000xf32, #tpu.memory_space<hbm>> -> memref<64x128xf32, #tpu.memory_space<hbm>>
    tpu.wait_dma2 semaphore(%arg23 : memref<!tpu.dma_semaphore, #tpu.memory_space<semaphore_mem>>) src(%dma_wait3A_778 : memref<64x128xf32, #tpu.memory_space<hbm>>) dst(%arg20 : memref<64x128xf32, #tpu.memory_space<vmem>>)
    %slice3A_779 = vector.extract_strided_slice %and3A_15 {offsets = [11], sizes = [1], strides = [1]} : vector<16xi32> to vector<1xi32>
    %squeeze3A_780 = vector.extract %slice3A_779[0] : i32 from vector<1xi32>
    %broadcast_in_dim3A_781 = vector.broadcast %squeeze3A_780 : i32 to vector<16xi32>
    %add3A_782 = arith.constant 0 : i32
    %add3A_783 = vector.broadcast %add3A_782 : i32 to vector<16xi32>
    %add3A_784 = arith.addi %iota3A, %add3A_783 : vector<16xi32>
    %gather3A_785 = tpu.vector_load_idx %arg20[%add3A_784, %broadcast_in_dim3A_781] : memref<64x128xf32, #tpu.memory_space<vmem>>[vector<16xi32>, vector<16xi32>], vector<16xf32>,
    %get3A_786 = arith.constant 11 : i32
    %get3A_787 = arith.index_cast %get3A_786 : i32 to index
    %get3A_788 = arith.constant 0 : index
    %get3A_789 = tpu.vector_load %arg7[%get3A_787, %get3A_788] {strides = array<i32>} : memref<16x64xf32, #tpu.memory_space<vmem>>, vector<16xf32>,
    %add3A_790 = arith.addf %gather3A_785, %get3A_789 : vector<16xf32>
    %swap3A_791 = arith.constant 11 : i32
    %swap3A_792 = arith.index_cast %swap3A_791 : i32 to index
    %swap3A_793 = arith.constant 0 : index
    %swap3A_794 = tpu.vector_load %arg8[%swap3A_792, %swap3A_793] {strides = array<i32>} : memref<16x64xf32, #tpu.memory_space<vmem>>, vector<16xf32>,
    tpu.vector_store %arg8[%swap3A_792, %swap3A_793], %add3A_790 {strides = array<i32>} : memref<16x64xf32, #tpu.memory_space<vmem>>, vector<16xf32>,
    %add3A_795 = arith.constant 16 : i32
    %add3A_796 = vector.broadcast %add3A_795 : i32 to vector<16xi32>
    %add3A_797 = arith.addi %iota3A, %add3A_796 : vector<16xi32>
    %gather3A_798 = tpu.vector_load_idx %arg20[%add3A_797, %broadcast_in_dim3A_781] : memref<64x128xf32, #tpu.memory_space<vmem>>[vector<16xi32>, vector<16xi32>], vector<16xf32>,
    %get3A_799 = arith.constant 11 : i32
    %get3A_800 = arith.index_cast %get3A_799 : i32 to index
    %get3A_801 = arith.constant 16 : index
    %get3A_802 = tpu.vector_load %arg7[%get3A_800, %get3A_801] {strides = array<i32>} : memref<16x64xf32, #tpu.memory_space<vmem>>, vector<16xf32>,
    %add3A_803 = arith.addf %gather3A_798, %get3A_802 : vector<16xf32>
    %swap3A_804 = arith.constant 11 : i32
    %swap3A_805 = arith.index_cast %swap3A_804 : i32 to index
    %swap3A_806 = arith.constant 16 : index
    %swap3A_807 = tpu.vector_load %arg8[%swap3A_805, %swap3A_806] {strides = array<i32>} : memref<16x64xf32, #tpu.memory_space<vmem>>, vector<16xf32>,
    tpu.vector_store %arg8[%swap3A_805, %swap3A_806], %add3A_803 {strides = array<i32>} : memref<16x64xf32, #tpu.memory_space<vmem>>, vector<16xf32>,
    %add3A_808 = arith.constant 32 : i32
    %add3A_809 = vector.broadcast %add3A_808 : i32 to vector<16xi32>
    %add3A_810 = arith.addi %iota3A, %add3A_809 : vector<16xi32>
    %gather3A_811 = tpu.vector_load_idx %arg20[%add3A_810, %broadcast_in_dim3A_781] : memref<64x128xf32, #tpu.memory_space<vmem>>[vector<16xi32>, vector<16xi32>], vector<16xf32>,
    %get3A_812 = arith.constant 11 : i32
    %get3A_813 = arith.index_cast %get3A_812 : i32 to index
    %get3A_814 = arith.constant 32 : index
    %get3A_815 = tpu.vector_load %arg7[%get3A_813, %get3A_814] {strides = array<i32>} : memref<16x64xf32, #tpu.memory_space<vmem>>, vector<16xf32>,
    %add3A_816 = arith.addf %gather3A_811, %get3A_815 : vector<16xf32>
    %swap3A_817 = arith.constant 11 : i32
    %swap3A_818 = arith.index_cast %swap3A_817 : i32 to index
    %swap3A_819 = arith.constant 32 : index
    %swap3A_820 = tpu.vector_load %arg8[%swap3A_818, %swap3A_819] {strides = array<i32>} : memref<16x64xf32, #tpu.memory_space<vmem>>, vector<16xf32>,
    tpu.vector_store %arg8[%swap3A_818, %swap3A_819], %add3A_816 {strides = array<i32>} : memref<16x64xf32, #tpu.memory_space<vmem>>, vector<16xf32>,
    %add3A_821 = arith.constant 48 : i32
    %add3A_822 = vector.broadcast %add3A_821 : i32 to vector<16xi32>
    %add3A_823 = arith.addi %iota3A, %add3A_822 : vector<16xi32>
    %gather3A_824 = tpu.vector_load_idx %arg20[%add3A_823, %broadcast_in_dim3A_781] : memref<64x128xf32, #tpu.memory_space<vmem>>[vector<16xi32>, vector<16xi32>], vector<16xf32>,
    %get3A_825 = arith.constant 11 : i32
    %get3A_826 = arith.index_cast %get3A_825 : i32 to index
    %get3A_827 = arith.constant 48 : index
    %get3A_828 = tpu.vector_load %arg7[%get3A_826, %get3A_827] {strides = array<i32>} : memref<16x64xf32, #tpu.memory_space<vmem>>, vector<16xf32>,
    %add3A_829 = arith.addf %gather3A_824, %get3A_828 : vector<16xf32>
    %swap3A_830 = arith.constant 11 : i32
    %swap3A_831 = arith.index_cast %swap3A_830 : i32 to index
    %swap3A_832 = arith.constant 48 : index
    %swap3A_833 = tpu.vector_load %arg8[%swap3A_831, %swap3A_832] {strides = array<i32>} : memref<16x64xf32, #tpu.memory_space<vmem>>, vector<16xf32>,
    tpu.vector_store %arg8[%swap3A_831, %swap3A_832], %add3A_829 {strides = array<i32>} : memref<16x64xf32, #tpu.memory_space<vmem>>, vector<16xf32>,
    %dma_wait3A_834 = arith.constant 0 : i32
    %dma_wait3A_835 = tpu.memref_slice %arg3[%dma_wait3A_834, %multiple_of3A_99] : memref<64x1000000xf32, #tpu.memory_space<hbm>> -> memref<64x128xf32, #tpu.memory_space<hbm>>
    %dma_wait3A_836 = arith.constant 0 : i32
    %dma_wait3A_837 = tpu.memref_slice %arg3[%dma_wait3A_836, %multiple_of3A_99] : memref<64x1000000xf32, #tpu.memory_space<hbm>> -> memref<64x128xf32, #tpu.memory_space<hbm>>
    tpu.wait_dma2 semaphore(%arg23 : memref<!tpu.dma_semaphore, #tpu.memory_space<semaphore_mem>>) src(%dma_wait3A_837 : memref<64x128xf32, #tpu.memory_space<hbm>>) dst(%arg21 : memref<64x128xf32, #tpu.memory_space<vmem>>)
    %slice3A_838 = vector.extract_strided_slice %and3A_15 {offsets = [12], sizes = [1], strides = [1]} : vector<16xi32> to vector<1xi32>
    %squeeze3A_839 = vector.extract %slice3A_838[0] : i32 from vector<1xi32>
    %broadcast_in_dim3A_840 = vector.broadcast %squeeze3A_839 : i32 to vector<16xi32>
    %add3A_841 = arith.constant 0 : i32
    %add3A_842 = vector.broadcast %add3A_841 : i32 to vector<16xi32>
    %add3A_843 = arith.addi %iota3A, %add3A_842 : vector<16xi32>
    %gather3A_844 = tpu.vector_load_idx %arg21[%add3A_843, %broadcast_in_dim3A_840] : memref<64x128xf32, #tpu.memory_space<vmem>>[vector<16xi32>, vector<16xi32>], vector<16xf32>,
    %get3A_845 = arith.constant 12 : i32
    %get3A_846 = arith.index_cast %get3A_845 : i32 to index
    %get3A_847 = arith.constant 0 : index
    %get3A_848 = tpu.vector_load %arg7[%get3A_846, %get3A_847] {strides = array<i32>} : memref<16x64xf32, #tpu.memory_space<vmem>>, vector<16xf32>,
    %add3A_849 = arith.addf %gather3A_844, %get3A_848 : vector<16xf32>
    %swap3A_850 = arith.constant 12 : i32
    %swap3A_851 = arith.index_cast %swap3A_850 : i32 to index
    %swap3A_852 = arith.constant 0 : index
    %swap3A_853 = tpu.vector_load %arg8[%swap3A_851, %swap3A_852] {strides = array<i32>} : memref<16x64xf32, #tpu.memory_space<vmem>>, vector<16xf32>,
    tpu.vector_store %arg8[%swap3A_851, %swap3A_852], %add3A_849 {strides = array<i32>} : memref<16x64xf32, #tpu.memory_space<vmem>>, vector<16xf32>,
    %add3A_854 = arith.constant 16 : i32
    %add3A_855 = vector.broadcast %add3A_854 : i32 to vector<16xi32>
    %add3A_856 = arith.addi %iota3A, %add3A_855 : vector<16xi32>
    %gather3A_857 = tpu.vector_load_idx %arg21[%add3A_856, %broadcast_in_dim3A_840] : memref<64x128xf32, #tpu.memory_space<vmem>>[vector<16xi32>, vector<16xi32>], vector<16xf32>,
    %get3A_858 = arith.constant 12 : i32
    %get3A_859 = arith.index_cast %get3A_858 : i32 to index
    %get3A_860 = arith.constant 16 : index
    %get3A_861 = tpu.vector_load %arg7[%get3A_859, %get3A_860] {strides = array<i32>} : memref<16x64xf32, #tpu.memory_space<vmem>>, vector<16xf32>,
    %add3A_862 = arith.addf %gather3A_857, %get3A_861 : vector<16xf32>
    %swap3A_863 = arith.constant 12 : i32
    %swap3A_864 = arith.index_cast %swap3A_863 : i32 to index
    %swap3A_865 = arith.constant 16 : index
    %swap3A_866 = tpu.vector_load %arg8[%swap3A_864, %swap3A_865] {strides = array<i32>} : memref<16x64xf32, #tpu.memory_space<vmem>>, vector<16xf32>,
    tpu.vector_store %arg8[%swap3A_864, %swap3A_865], %add3A_862 {strides = array<i32>} : memref<16x64xf32, #tpu.memory_space<vmem>>, vector<16xf32>,
    %add3A_867 = arith.constant 32 : i32
    %add3A_868 = vector.broadcast %add3A_867 : i32 to vector<16xi32>
    %add3A_869 = arith.addi %iota3A, %add3A_868 : vector<16xi32>
    %gather3A_870 = tpu.vector_load_idx %arg21[%add3A_869, %broadcast_in_dim3A_840] : memref<64x128xf32, #tpu.memory_space<vmem>>[vector<16xi32>, vector<16xi32>], vector<16xf32>,
    %get3A_871 = arith.constant 12 : i32
    %get3A_872 = arith.index_cast %get3A_871 : i32 to index
    %get3A_873 = arith.constant 32 : index
    %get3A_874 = tpu.vector_load %arg7[%get3A_872, %get3A_873] {strides = array<i32>} : memref<16x64xf32, #tpu.memory_space<vmem>>, vector<16xf32>,
    %add3A_875 = arith.addf %gather3A_870, %get3A_874 : vector<16xf32>
    %swap3A_876 = arith.constant 12 : i32
    %swap3A_877 = arith.index_cast %swap3A_876 : i32 to index
    %swap3A_878 = arith.constant 32 : index
    %swap3A_879 = tpu.vector_load %arg8[%swap3A_877, %swap3A_878] {strides = array<i32>} : memref<16x64xf32, #tpu.memory_space<vmem>>, vector<16xf32>,
    tpu.vector_store %arg8[%swap3A_877, %swap3A_878], %add3A_875 {strides = array<i32>} : memref<16x64xf32, #tpu.memory_space<vmem>>, vector<16xf32>,
    %add3A_880 = arith.constant 48 : i32
    %add3A_881 = vector.broadcast %add3A_880 : i32 to vector<16xi32>
    %add3A_882 = arith.addi %iota3A, %add3A_881 : vector<16xi32>
    %gather3A_883 = tpu.vector_load_idx %arg21[%add3A_882, %broadcast_in_dim3A_840] : memref<64x128xf32, #tpu.memory_space<vmem>>[vector<16xi32>, vector<16xi32>], vector<16xf32>,
    %get3A_884 = arith.constant 12 : i32
    %get3A_885 = arith.index_cast %get3A_884 : i32 to index
    %get3A_886 = arith.constant 48 : index
    %get3A_887 = tpu.vector_load %arg7[%get3A_885, %get3A_886] {strides = array<i32>} : memref<16x64xf32, #tpu.memory_space<vmem>>, vector<16xf32>,
    %add3A_888 = arith.addf %gather3A_883, %get3A_887 : vector<16xf32>
    %swap3A_889 = arith.constant 12 : i32
    %swap3A_890 = arith.index_cast %swap3A_889 : i32 to index
    %swap3A_891 = arith.constant 48 : index
    %swap3A_892 = tpu.vector_load %arg8[%swap3A_890, %swap3A_891] {strides = array<i32>} : memref<16x64xf32, #tpu.memory_space<vmem>>, vector<16xf32>,
    tpu.vector_store %arg8[%swap3A_890, %swap3A_891], %add3A_888 {strides = array<i32>} : memref<16x64xf32, #tpu.memory_space<vmem>>, vector<16xf32>,
    %dma_wait3A_893 = arith.constant 0 : i32
    %dma_wait3A_894 = tpu.memref_slice %arg3[%dma_wait3A_893, %multiple_of3A_106] : memref<64x1000000xf32, #tpu.memory_space<hbm>> -> memref<64x128xf32, #tpu.memory_space<hbm>>
    %dma_wait3A_895 = arith.constant 0 : i32
    %dma_wait3A_896 = tpu.memref_slice %arg3[%dma_wait3A_895, %multiple_of3A_106] : memref<64x1000000xf32, #tpu.memory_space<hbm>> -> memref<64x128xf32, #tpu.memory_space<hbm>>
    tpu.wait_dma2 semaphore(%arg23 : memref<!tpu.dma_semaphore, #tpu.memory_space<semaphore_mem>>) src(%dma_wait3A_896 : memref<64x128xf32, #tpu.memory_space<hbm>>) dst(%arg22 : memref<64x128xf32, #tpu.memory_space<vmem>>)
    %slice3A_897 = vector.extract_strided_slice %and3A_15 {offsets = [13], sizes = [1], strides = [1]} : vector<16xi32> to vector<1xi32>
    %squeeze3A_898 = vector.extract %slice3A_897[0] : i32 from vector<1xi32>
    %broadcast_in_dim3A_899 = vector.broadcast %squeeze3A_898 : i32 to vector<16xi32>
    %add3A_900 = arith.constant 0 : i32
    %add3A_901 = vector.broadcast %add3A_900 : i32 to vector<16xi32>
    %add3A_902 = arith.addi %iota3A, %add3A_901 : vector<16xi32>
    %gather3A_903 = tpu.vector_load_idx %arg22[%add3A_902, %broadcast_in_dim3A_899] : memref<64x128xf32, #tpu.memory_space<vmem>>[vector<16xi32>, vector<16xi32>], vector<16xf32>,
    %get3A_904 = arith.constant 13 : i32
    %get3A_905 = arith.index_cast %get3A_904 : i32 to index
    %get3A_906 = arith.constant 0 : index
    %get3A_907 = tpu.vector_load %arg7[%get3A_905, %get3A_906] {strides = array<i32>} : memref<16x64xf32, #tpu.memory_space<vmem>>, vector<16xf32>,
    %add3A_908 = arith.addf %gather3A_903, %get3A_907 : vector<16xf32>
    %swap3A_909 = arith.constant 13 : i32
    %swap3A_910 = arith.index_cast %swap3A_909 : i32 to index
    %swap3A_911 = arith.constant 0 : index
    %swap3A_912 = tpu.vector_load %arg8[%swap3A_910, %swap3A_911] {strides = array<i32>} : memref<16x64xf32, #tpu.memory_space<vmem>>, vector<16xf32>,
    tpu.vector_store %arg8[%swap3A_910, %swap3A_911], %add3A_908 {strides = array<i32>} : memref<16x64xf32, #tpu.memory_space<vmem>>, vector<16xf32>,
    %add3A_913 = arith.constant 16 : i32
    %add3A_914 = vector.broadcast %add3A_913 : i32 to vector<16xi32>
    %add3A_915 = arith.addi %iota3A, %add3A_914 : vector<16xi32>
    %gather3A_916 = tpu.vector_load_idx %arg22[%add3A_915, %broadcast_in_dim3A_899] : memref<64x128xf32, #tpu.memory_space<vmem>>[vector<16xi32>, vector<16xi32>], vector<16xf32>,
    %get3A_917 = arith.constant 13 : i32
    %get3A_918 = arith.index_cast %get3A_917 : i32 to index
    %get3A_919 = arith.constant 16 : index
    %get3A_920 = tpu.vector_load %arg7[%get3A_918, %get3A_919] {strides = array<i32>} : memref<16x64xf32, #tpu.memory_space<vmem>>, vector<16xf32>,
    %add3A_921 = arith.addf %gather3A_916, %get3A_920 : vector<16xf32>
    %swap3A_922 = arith.constant 13 : i32
    %swap3A_923 = arith.index_cast %swap3A_922 : i32 to index
    %swap3A_924 = arith.constant 16 : index
    %swap3A_925 = tpu.vector_load %arg8[%swap3A_923, %swap3A_924] {strides = array<i32>} : memref<16x64xf32, #tpu.memory_space<vmem>>, vector<16xf32>,
    tpu.vector_store %arg8[%swap3A_923, %swap3A_924], %add3A_921 {strides = array<i32>} : memref<16x64xf32, #tpu.memory_space<vmem>>, vector<16xf32>,
    %add3A_926 = arith.constant 32 : i32
    %add3A_927 = vector.broadcast %add3A_926 : i32 to vector<16xi32>
    %add3A_928 = arith.addi %iota3A, %add3A_927 : vector<16xi32>
    %gather3A_929 = tpu.vector_load_idx %arg22[%add3A_928, %broadcast_in_dim3A_899] : memref<64x128xf32, #tpu.memory_space<vmem>>[vector<16xi32>, vector<16xi32>], vector<16xf32>,
    %get3A_930 = arith.constant 13 : i32
    %get3A_931 = arith.index_cast %get3A_930 : i32 to index
    %get3A_932 = arith.constant 32 : index
    %get3A_933 = tpu.vector_load %arg7[%get3A_931, %get3A_932] {strides = array<i32>} : memref<16x64xf32, #tpu.memory_space<vmem>>, vector<16xf32>,
    %add3A_934 = arith.addf %gather3A_929, %get3A_933 : vector<16xf32>
    %swap3A_935 = arith.constant 13 : i32
    %swap3A_936 = arith.index_cast %swap3A_935 : i32 to index
    %swap3A_937 = arith.constant 32 : index
    %swap3A_938 = tpu.vector_load %arg8[%swap3A_936, %swap3A_937] {strides = array<i32>} : memref<16x64xf32, #tpu.memory_space<vmem>>, vector<16xf32>,
    tpu.vector_store %arg8[%swap3A_936, %swap3A_937], %add3A_934 {strides = array<i32>} : memref<16x64xf32, #tpu.memory_space<vmem>>, vector<16xf32>,
    %add3A_939 = arith.constant 48 : i32
    %add3A_940 = vector.broadcast %add3A_939 : i32 to vector<16xi32>
    %add3A_941 = arith.addi %iota3A, %add3A_940 : vector<16xi32>
    %gather3A_942 = tpu.vector_load_idx %arg22[%add3A_941, %broadcast_in_dim3A_899] : memref<64x128xf32, #tpu.memory_space<vmem>>[vector<16xi32>, vector<16xi32>], vector<16xf32>,
    %get3A_943 = arith.constant 13 : i32
    %get3A_944 = arith.index_cast %get3A_943 : i32 to index
    %get3A_945 = arith.constant 48 : index
    %get3A_946 = tpu.vector_load %arg7[%get3A_944, %get3A_945] {strides = array<i32>} : memref<16x64xf32, #tpu.memory_space<vmem>>, vector<16xf32>,
    %add3A_947 = arith.addf %gather3A_942, %get3A_946 : vector<16xf32>
    %swap3A_948 = arith.constant 13 : i32
    %swap3A_949 = arith.index_cast %swap3A_948 : i32 to index
    %swap3A_950 = arith.constant 48 : index
    %swap3A_951 = tpu.vector_load %arg8[%swap3A_949, %swap3A_950] {strides = array<i32>} : memref<16x64xf32, #tpu.memory_space<vmem>>, vector<16xf32>,
    tpu.vector_store %arg8[%swap3A_949, %swap3A_950], %add3A_947 {strides = array<i32>} : memref<16x64xf32, #tpu.memory_space<vmem>>, vector<16xf32>,
    %dma_wait3A_952 = arith.constant 0 : i32
    %dma_wait3A_953 = tpu.memref_slice %arg3[%dma_wait3A_952, %multiple_of3A_173] : memref<64x1000000xf32, #tpu.memory_space<hbm>> -> memref<64x128xf32, #tpu.memory_space<hbm>>
    %dma_wait3A_954 = arith.constant 0 : i32
    %dma_wait3A_955 = tpu.memref_slice %arg3[%dma_wait3A_954, %multiple_of3A_173] : memref<64x1000000xf32, #tpu.memory_space<hbm>> -> memref<64x128xf32, #tpu.memory_space<hbm>>
    tpu.wait_dma2 semaphore(%arg23 : memref<!tpu.dma_semaphore, #tpu.memory_space<semaphore_mem>>) src(%dma_wait3A_955 : memref<64x128xf32, #tpu.memory_space<hbm>>) dst(%arg9 : memref<64x128xf32, #tpu.memory_space<vmem>>)
    %slice3A_956 = vector.extract_strided_slice %and3A_15 {offsets = [14], sizes = [1], strides = [1]} : vector<16xi32> to vector<1xi32>
    %squeeze3A_957 = vector.extract %slice3A_956[0] : i32 from vector<1xi32>
    %broadcast_in_dim3A_958 = vector.broadcast %squeeze3A_957 : i32 to vector<16xi32>
    %add3A_959 = arith.constant 0 : i32
    %add3A_960 = vector.broadcast %add3A_959 : i32 to vector<16xi32>
    %add3A_961 = arith.addi %iota3A, %add3A_960 : vector<16xi32>
    %gather3A_962 = tpu.vector_load_idx %arg9[%add3A_961, %broadcast_in_dim3A_958] : memref<64x128xf32, #tpu.memory_space<vmem>>[vector<16xi32>, vector<16xi32>], vector<16xf32>,
    %get3A_963 = arith.constant 14 : i32
    %get3A_964 = arith.index_cast %get3A_963 : i32 to index
    %get3A_965 = arith.constant 0 : index
    %get3A_966 = tpu.vector_load %arg7[%get3A_964, %get3A_965] {strides = array<i32>} : memref<16x64xf32, #tpu.memory_space<vmem>>, vector<16xf32>,
    %add3A_967 = arith.addf %gather3A_962, %get3A_966 : vector<16xf32>
    %swap3A_968 = arith.constant 14 : i32
    %swap3A_969 = arith.index_cast %swap3A_968 : i32 to index
    %swap3A_970 = arith.constant 0 : index
    %swap3A_971 = tpu.vector_load %arg8[%swap3A_969, %swap3A_970] {strides = array<i32>} : memref<16x64xf32, #tpu.memory_space<vmem>>, vector<16xf32>,
    tpu.vector_store %arg8[%swap3A_969, %swap3A_970], %add3A_967 {strides = array<i32>} : memref<16x64xf32, #tpu.memory_space<vmem>>, vector<16xf32>,
    %add3A_972 = arith.constant 16 : i32
    %add3A_973 = vector.broadcast %add3A_972 : i32 to vector<16xi32>
    %add3A_974 = arith.addi %iota3A, %add3A_973 : vector<16xi32>
    %gather3A_975 = tpu.vector_load_idx %arg9[%add3A_974, %broadcast_in_dim3A_958] : memref<64x128xf32, #tpu.memory_space<vmem>>[vector<16xi32>, vector<16xi32>], vector<16xf32>,
    %get3A_976 = arith.constant 14 : i32
    %get3A_977 = arith.index_cast %get3A_976 : i32 to index
    %get3A_978 = arith.constant 16 : index
    %get3A_979 = tpu.vector_load %arg7[%get3A_977, %get3A_978] {strides = array<i32>} : memref<16x64xf32, #tpu.memory_space<vmem>>, vector<16xf32>,
    %add3A_980 = arith.addf %gather3A_975, %get3A_979 : vector<16xf32>
    %swap3A_981 = arith.constant 14 : i32
    %swap3A_982 = arith.index_cast %swap3A_981 : i32 to index
    %swap3A_983 = arith.constant 16 : index
    %swap3A_984 = tpu.vector_load %arg8[%swap3A_982, %swap3A_983] {strides = array<i32>} : memref<16x64xf32, #tpu.memory_space<vmem>>, vector<16xf32>,
    tpu.vector_store %arg8[%swap3A_982, %swap3A_983], %add3A_980 {strides = array<i32>} : memref<16x64xf32, #tpu.memory_space<vmem>>, vector<16xf32>,
    %add3A_985 = arith.constant 32 : i32
    %add3A_986 = vector.broadcast %add3A_985 : i32 to vector<16xi32>
    %add3A_987 = arith.addi %iota3A, %add3A_986 : vector<16xi32>
    %gather3A_988 = tpu.vector_load_idx %arg9[%add3A_987, %broadcast_in_dim3A_958] : memref<64x128xf32, #tpu.memory_space<vmem>>[vector<16xi32>, vector<16xi32>], vector<16xf32>,
    %get3A_989 = arith.constant 14 : i32
    %get3A_990 = arith.index_cast %get3A_989 : i32 to index
    %get3A_991 = arith.constant 32 : index
    %get3A_992 = tpu.vector_load %arg7[%get3A_990, %get3A_991] {strides = array<i32>} : memref<16x64xf32, #tpu.memory_space<vmem>>, vector<16xf32>,
    %add3A_993 = arith.addf %gather3A_988, %get3A_992 : vector<16xf32>
    %swap3A_994 = arith.constant 14 : i32
    %swap3A_995 = arith.index_cast %swap3A_994 : i32 to index
    %swap3A_996 = arith.constant 32 : index
    %swap3A_997 = tpu.vector_load %arg8[%swap3A_995, %swap3A_996] {strides = array<i32>} : memref<16x64xf32, #tpu.memory_space<vmem>>, vector<16xf32>,
    tpu.vector_store %arg8[%swap3A_995, %swap3A_996], %add3A_993 {strides = array<i32>} : memref<16x64xf32, #tpu.memory_space<vmem>>, vector<16xf32>,
    %add3A_998 = arith.constant 48 : i32
    %add3A_999 = vector.broadcast %add3A_998 : i32 to vector<16xi32>
    %add3A_1000 = arith.addi %iota3A, %add3A_999 : vector<16xi32>
    %gather3A_1001 = tpu.vector_load_idx %arg9[%add3A_1000, %broadcast_in_dim3A_958] : memref<64x128xf32, #tpu.memory_space<vmem>>[vector<16xi32>, vector<16xi32>], vector<16xf32>,
    %get3A_1002 = arith.constant 14 : i32
    %get3A_1003 = arith.index_cast %get3A_1002 : i32 to index
    %get3A_1004 = arith.constant 48 : index
    %get3A_1005 = tpu.vector_load %arg7[%get3A_1003, %get3A_1004] {strides = array<i32>} : memref<16x64xf32, #tpu.memory_space<vmem>>, vector<16xf32>,
    %add3A_1006 = arith.addf %gather3A_1001, %get3A_1005 : vector<16xf32>
    %swap3A_1007 = arith.constant 14 : i32
    %swap3A_1008 = arith.index_cast %swap3A_1007 : i32 to index
    %swap3A_1009 = arith.constant 48 : index
    %swap3A_1010 = tpu.vector_load %arg8[%swap3A_1008, %swap3A_1009] {strides = array<i32>} : memref<16x64xf32, #tpu.memory_space<vmem>>, vector<16xf32>,
    tpu.vector_store %arg8[%swap3A_1008, %swap3A_1009], %add3A_1006 {strides = array<i32>} : memref<16x64xf32, #tpu.memory_space<vmem>>, vector<16xf32>,
    %dma_wait3A_1011 = arith.constant 0 : i32
    %dma_wait3A_1012 = tpu.memref_slice %arg3[%dma_wait3A_1011, %multiple_of3A_239] : memref<64x1000000xf32, #tpu.memory_space<hbm>> -> memref<64x128xf32, #tpu.memory_space<hbm>>
    %dma_wait3A_1013 = arith.constant 0 : i32
    %dma_wait3A_1014 = tpu.memref_slice %arg3[%dma_wait3A_1013, %multiple_of3A_239] : memref<64x1000000xf32, #tpu.memory_space<hbm>> -> memref<64x128xf32, #tpu.memory_space<hbm>>
    tpu.wait_dma2 semaphore(%arg23 : memref<!tpu.dma_semaphore, #tpu.memory_space<semaphore_mem>>) src(%dma_wait3A_1014 : memref<64x128xf32, #tpu.memory_space<hbm>>) dst(%arg10 : memref<64x128xf32, #tpu.memory_space<vmem>>)
    %slice3A_1015 = vector.extract_strided_slice %and3A_15 {offsets = [15], sizes = [1], strides = [1]} : vector<16xi32> to vector<1xi32>
    %squeeze3A_1016 = vector.extract %slice3A_1015[0] : i32 from vector<1xi32>
    %broadcast_in_dim3A_1017 = vector.broadcast %squeeze3A_1016 : i32 to vector<16xi32>
    %add3A_1018 = arith.constant 0 : i32
    %add3A_1019 = vector.broadcast %add3A_1018 : i32 to vector<16xi32>
    %add3A_1020 = arith.addi %iota3A, %add3A_1019 : vector<16xi32>
    %gather3A_1021 = tpu.vector_load_idx %arg10[%add3A_1020, %broadcast_in_dim3A_1017] : memref<64x128xf32, #tpu.memory_space<vmem>>[vector<16xi32>, vector<16xi32>], vector<16xf32>,
    %get3A_1022 = arith.constant 15 : i32
    %get3A_1023 = arith.index_cast %get3A_1022 : i32 to index
    %get3A_1024 = arith.constant 0 : index
    %get3A_1025 = tpu.vector_load %arg7[%get3A_1023, %get3A_1024] {strides = array<i32>} : memref<16x64xf32, #tpu.memory_space<vmem>>, vector<16xf32>,
    %add3A_1026 = arith.addf %gather3A_1021, %get3A_1025 : vector<16xf32>
    %swap3A_1027 = arith.constant 15 : i32
    %swap3A_1028 = arith.index_cast %swap3A_1027 : i32 to index
    %swap3A_1029 = arith.constant 0 : index
    %swap3A_1030 = tpu.vector_load %arg8[%swap3A_1028, %swap3A_1029] {strides = array<i32>} : memref<16x64xf32, #tpu.memory_space<vmem>>, vector<16xf32>,
    tpu.vector_store %arg8[%swap3A_1028, %swap3A_1029], %add3A_1026 {strides = array<i32>} : memref<16x64xf32, #tpu.memory_space<vmem>>, vector<16xf32>,
    %add3A_1031 = arith.constant 16 : i32
    %add3A_1032 = vector.broadcast %add3A_1031 : i32 to vector<16xi32>
    %add3A_1033 = arith.addi %iota3A, %add3A_1032 : vector<16xi32>
    %gather3A_1034 = tpu.vector_load_idx %arg10[%add3A_1033, %broadcast_in_dim3A_1017] : memref<64x128xf32, #tpu.memory_space<vmem>>[vector<16xi32>, vector<16xi32>], vector<16xf32>,
    %get3A_1035 = arith.constant 15 : i32
    %get3A_1036 = arith.index_cast %get3A_1035 : i32 to index
    %get3A_1037 = arith.constant 16 : index
    %get3A_1038 = tpu.vector_load %arg7[%get3A_1036, %get3A_1037] {strides = array<i32>} : memref<16x64xf32, #tpu.memory_space<vmem>>, vector<16xf32>,
    %add3A_1039 = arith.addf %gather3A_1034, %get3A_1038 : vector<16xf32>
    %swap3A_1040 = arith.constant 15 : i32
    %swap3A_1041 = arith.index_cast %swap3A_1040 : i32 to index
    %swap3A_1042 = arith.constant 16 : index
    %swap3A_1043 = tpu.vector_load %arg8[%swap3A_1041, %swap3A_1042] {strides = array<i32>} : memref<16x64xf32, #tpu.memory_space<vmem>>, vector<16xf32>,
    tpu.vector_store %arg8[%swap3A_1041, %swap3A_1042], %add3A_1039 {strides = array<i32>} : memref<16x64xf32, #tpu.memory_space<vmem>>, vector<16xf32>,
    %add3A_1044 = arith.constant 32 : i32
    %add3A_1045 = vector.broadcast %add3A_1044 : i32 to vector<16xi32>
    %add3A_1046 = arith.addi %iota3A, %add3A_1045 : vector<16xi32>
    %gather3A_1047 = tpu.vector_load_idx %arg10[%add3A_1046, %broadcast_in_dim3A_1017] : memref<64x128xf32, #tpu.memory_space<vmem>>[vector<16xi32>, vector<16xi32>], vector<16xf32>,
    %get3A_1048 = arith.constant 15 : i32
    %get3A_1049 = arith.index_cast %get3A_1048 : i32 to index
    %get3A_1050 = arith.constant 32 : index
    %get3A_1051 = tpu.vector_load %arg7[%get3A_1049, %get3A_1050] {strides = array<i32>} : memref<16x64xf32, #tpu.memory_space<vmem>>, vector<16xf32>,
    %add3A_1052 = arith.addf %gather3A_1047, %get3A_1051 : vector<16xf32>
    %swap3A_1053 = arith.constant 15 : i32
    %swap3A_1054 = arith.index_cast %swap3A_1053 : i32 to index
    %swap3A_1055 = arith.constant 32 : index
    %swap3A_1056 = tpu.vector_load %arg8[%swap3A_1054, %swap3A_1055] {strides = array<i32>} : memref<16x64xf32, #tpu.memory_space<vmem>>, vector<16xf32>,
    tpu.vector_store %arg8[%swap3A_1054, %swap3A_1055], %add3A_1052 {strides = array<i32>} : memref<16x64xf32, #tpu.memory_space<vmem>>, vector<16xf32>,
    %add3A_1057 = arith.constant 48 : i32
    %add3A_1058 = vector.broadcast %add3A_1057 : i32 to vector<16xi32>
    %add3A_1059 = arith.addi %iota3A, %add3A_1058 : vector<16xi32>
    %gather3A_1060 = tpu.vector_load_idx %arg10[%add3A_1059, %broadcast_in_dim3A_1017] : memref<64x128xf32, #tpu.memory_space<vmem>>[vector<16xi32>, vector<16xi32>], vector<16xf32>,
    %get3A_1061 = arith.constant 15 : i32
    %get3A_1062 = arith.index_cast %get3A_1061 : i32 to index
    %get3A_1063 = arith.constant 48 : index
    %get3A_1064 = tpu.vector_load %arg7[%get3A_1062, %get3A_1063] {strides = array<i32>} : memref<16x64xf32, #tpu.memory_space<vmem>>, vector<16xf32>,
    %add3A_1065 = arith.addf %gather3A_1060, %get3A_1064 : vector<16xf32>
    %swap3A_1066 = arith.constant 15 : i32
    %swap3A_1067 = arith.index_cast %swap3A_1066 : i32 to index
    %swap3A_1068 = arith.constant 48 : index
    %swap3A_1069 = tpu.vector_load %arg8[%swap3A_1067, %swap3A_1068] {strides = array<i32>} : memref<16x64xf32, #tpu.memory_space<vmem>>, vector<16xf32>,
    tpu.vector_store %arg8[%swap3A_1067, %swap3A_1068], %add3A_1065 {strides = array<i32>} : memref<16x64xf32, #tpu.memory_space<vmem>>, vector<16xf32>,
    "tpu.region"() ({
      %run_scoped3A = tpu.sem_alloc : memref<!tpu.dma_semaphore, #tpu.memory_space<semaphore_mem>>
      %dma_start3A_1070 = arith.constant 0 : i32
      %dma_start3A_1071 = tpu.memref_slice %arg5[%mul3A_2, %dma_start3A_1070] : memref<512x64xf32, #tpu.memory_space<hbm>> -> memref<16x64xf32, #tpu.memory_space<hbm>>
      %dma_start3A_1072 = arith.constant 0 : i32
      %dma_start3A_1073 = tpu.memref_slice %arg5[%mul3A_2, %dma_start3A_1072] : memref<512x64xf32, #tpu.memory_space<hbm>> -> memref<16x64xf32, #tpu.memory_space<hbm>>
      tpu.enqueue_dma source(%arg8 : memref<16x64xf32, #tpu.memory_space<vmem>>) target(%dma_start3A_1073 : memref<16x64xf32, #tpu.memory_space<hbm>>) target_semaphore(%run_scoped3A : memref<!tpu.dma_semaphore, #tpu.memory_space<semaphore_mem>>)
      %dma_wait3A_1074 = arith.constant 0 : i32
      %dma_wait3A_1075 = tpu.memref_slice %arg5[%mul3A_2, %dma_wait3A_1074] : memref<512x64xf32, #tpu.memory_space<hbm>> -> memref<16x64xf32, #tpu.memory_space<hbm>>
      %dma_wait3A_1076 = arith.constant 0 : i32
      %dma_wait3A_1077 = tpu.memref_slice %arg5[%mul3A_2, %dma_wait3A_1076] : memref<512x64xf32, #tpu.memory_space<hbm>> -> memref<16x64xf32, #tpu.memory_space<hbm>>
      tpu.wait_dma2 semaphore(%run_scoped3A : memref<!tpu.dma_semaphore, #tpu.memory_space<semaphore_mem>>) src(%arg8 : memref<16x64xf32, #tpu.memory_space<vmem>>) dst(%dma_wait3A_1077 : memref<16x64xf32, #tpu.memory_space<hbm>>)
      tpu.yield
    }) : () -> ()
    return
  }
}

</mosaic_0001>

<sc_bundles>
// kernel: kernel.3.cloned.1.call-start
scs
__scs_entry_jumppad:
0x0: {  	(pc) =	sbr.rel $0x88, $3  }
0x1: {  	(tag) =	ssettag $0x0;
	lr =	simm.s32 $0x1  }
0x2: {  	[smem:$0x3F9F] =	sst lr;
	_ =	strace $0xD0000000  }
0x3: {  	_ = 	snop  }
0x4: {  	_ = 	snop  }
0x5: {  	_ = 	snop  }
0x6: {  	_ = 	snop  }
0x7: {  	_ = 	snop  }
__scs_overlays_trampoline_lowered:
0x8: {  	[smem:$0x3FAE] =	sst s0  }
0x9: {  	[smem:$0x3FAF] =	sst s1  }
0xa: {  	[smem:$0x3FB0] =	sst s2  }
0xb: {  	[smem:$0x3FB1] =	sst s3  }
0xc: {  	[smem:$0x3FB2] =	sst s4  }
0xd: {  	[smem:$0x3FB3] =	sst s5  }
0xe: {  	[smem:$0x3FB4] =	sst s6  }
0xf: {  	[smem:$0x3FB5] =	sst s7  }
0x10: {  	[smem:$0x3FB6] =	sst s8  }
0x11: {  	[smem:$0x3FB7] =	sst s9;
	s0 =	simm.s32 @!p0 $0x0  }
0x12: {  	s1 =	sld [smem:$0x3F9D];
	s0 =	simm.s32 @p0 $0x1  }
0x13: {  	[smem:$0x3FB8] =	sst s0;
	s0 =	simm.s32 @!p1 $0x0  }
0x14: {  	s2 =	sld [smem:$0x3F9C];
	s0 =	simm.s32 @p1 $0x1  }
0x15: {  	[smem:$0x3FB9] =	sst s0;
	s0 =	simm.s32 @!p2 $0x0  }
0x16: {  	s3 =	sld [smem:$0x3FDB];
	s0 =	simm.s32 @p2 $0x1  }
0x17: {  	s4 =	simm.s32 $0x1BF5;
	[smem:$0x3FBB] =	sst s0  }
0x18: {  	s0 =	sld [smem:$0x3F9E];
	_ =	swait.ge [sflag:s4], $0x0  }
0x19: {  	s7 =	sld [smem:$0x3F9F]  }
0x1a: {  	s8 =	sadd.s32 $0xFFFFE003, lr  }
0x1b: {  	s9 =	sadd.s32 $0xFFFFFEF7, lr;
	s5 =	simm.s32 $0xFFFFFFFF;
	p2 =	slt.u32 s8, $0xFFFFF086  }
0x1c: {  	p1 =	slt.u32 s9, $0xF7A;
	s5 =	simm.s32 @!p2 $0x0  }
0x1d: {  	s5 =	simm.s32 @p1 $0x1;
	p0 =	seq.s32 s7, s2  }
0x1e: {  	s7 =	smul.u32 @!p0 $0xF7A, s2;
	p2 =	seq.s32 @!p0 s5, $0x0  }
0x1f: {  	s9 =	smul.u32 $0xF7A, s1;
	s8 =	simm.s32 @!p0 $0x1BF5;
	p2 =	por !p2, p0  }
0x20: {  	[sflag:s8] =	ssyncset.s32 @!p0 $0xFFFFF086;
	s6 =	sadd.s32 @!p0 s3, s7;
	s7 =	simm.s32 @!p0 $0x108  }
0x21: {  	s3 =	sadd.s32 s3, s9;
	s6 =	sadd.s32 @!p0 $0x88, s6;
	s7 =	simm.s32 @p2 $0x1082  }
0x22: {  	[simem:s7], [sflag:s8] =	dma.local @!p0 [hbm:s6], $0xF7A  }
0x23: {  	s9 =	sor.u32 $0xD0000000, s2;
	s6 =	simm.s32 $0x108;
	_ =	swait.ge @!p0 [sflag:s8], $0x0  }
0x24: {  	s3 =	sadd.s32 $0x88, s3;
	s6 =	simm.s32 @!p1 $0x1082;
	[sflag:s4] =	ssyncset.s32 $0xFFFFF086  }
0x25: {  	[simem:s6], [sflag:s4] =	dma.local [hbm:s3], $0xF7A  }
0x26: {  	[smem:$0x3F9F] =	sst s1;
	(tag) =	ssettag s2;
	_ =	strace s9  }
0x27: {  	s1 =	sld [smem:$0x3FAF]  }
0x28: {  	s2 =	sld [smem:$0x3FB0]  }
0x29: {  	s4 =	sld [smem:$0x3FB2]  }
0x2a: {  	p0 =	seq.s32 s5, $0x0;
	s5 =	sld [smem:$0x3FB3]  }
0x2b: {  	s6 =	sld [smem:$0x3FB4]  }
0x2c: {  	s7 =	sld [smem:$0x3FB5]  }
0x2d: {  	s3 =	simm.s32 $0x108;
	s8 =	sld [smem:$0x3FB6]  }
0x2e: {  	s3 =	simm.s32 @!p0 $0x1082;
	s9 =	sld [smem:$0x3FB7]  }
0x2f: {  	lr =	sadd.s32 s0, s3;
	s0 =	sld [smem:$0x3FAE]  }
0x30: {  	s3 =	sld [smem:$0x3FB1]  }
0x31: {  	[smem:$0x3FBA] =	sst s10  }
0x32: {  	s10 =	sld [smem:$0x3FB8];
	_ =	sdelay $0x3  }
0x33: {  	p0 =	seq.s32 s10, $0x1;
	s10 =	sld [smem:$0x3FBA];
	_ =	sdelay $0x3  }
0x34: {  	[smem:$0x3FBA] =	sst s10  }
0x35: {  	s10 =	sld [smem:$0x3FB9];
	_ =	sdelay $0x3  }
0x36: {  	p1 =	seq.s32 s10, $0x1;
	s10 =	sld [smem:$0x3FBA];
	_ =	sdelay $0x3  }
0x37: {  	[smem:$0x3FBA] =	sst s10  }
0x38: {  	s10 =	sld [smem:$0x3FBB]  }
0x39: {  	_ = 	snop;
	(pc) =	sbr.ind lr, $3  }
0x3a: {  	_ = 	snop  }
0x3b: {  	_ = 	snop  }
0x3c: {  	p2 =	seq.s32 s10, $0x1;
	s10 =	sld [smem:$0x3FBA]  }
0x3d: {  	_ =	shalt  }
0x3e: {  	_ =	shalt  }
0x3f: {  	_ =	shalt  }
0x40: {  	_ =	shalt  }
0x41: {  	_ =	shalt  }
0x42: {  	_ =	shalt  }
0x43: {  	_ =	shalt  }
0x44: {  	_ =	shalt  }
0x45: {  	_ =	shalt  }
0x46: {  	_ =	shalt  }
0x47: {  	_ =	shalt  }
0x48: {  	_ =	shalt  }
0x49: {  	_ =	shalt  }
0x4a: {  	_ =	shalt  }
0x4b: {  	_ =	shalt  }
0x4c: {  	_ =	shalt  }
0x4d: {  	_ =	shalt  }
0x4e: {  	_ =	shalt  }
0x4f: {  	_ =	shalt  }
0x50: {  	_ =	shalt  }
0x51: {  	_ =	shalt  }
0x52: {  	_ =	shalt  }
0x53: {  	_ =	shalt  }
0x54: {  	_ =	shalt  }
0x55: {  	_ =	shalt  }
0x56: {  	_ =	shalt  }
0x57: {  	_ =	shalt  }
0x58: {  	_ =	shalt  }
0x59: {  	_ =	shalt  }
0x5a: {  	_ =	shalt  }
0x5b: {  	_ =	shalt  }
0x5c: {  	_ =	shalt  }
0x5d: {  	_ =	shalt  }
0x5e: {  	_ =	shalt  }
0x5f: {  	_ =	shalt  }
0x60: {  	_ =	shalt  }
0x61: {  	_ =	shalt  }
0x62: {  	_ =	shalt  }
0x63: {  	_ =	shalt  }
0x64: {  	_ =	shalt  }
0x65: {  	_ =	shalt  }
0x66: {  	_ =	shalt  }
0x67: {  	_ =	shalt  }
0x68: {  	_ =	shalt  }
0x69: {  	_ =	shalt  }
0x6a: {  	_ =	shalt  }
0x6b: {  	_ =	shalt  }
0x6c: {  	_ =	shalt  }
0x6d: {  	_ =	shalt  }
0x6e: {  	_ =	shalt  }
0x6f: {  	_ =	shalt  }
0x70: {  	_ =	shalt  }
0x71: {  	_ =	shalt  }
0x72: {  	_ =	shalt  }
0x73: {  	_ =	shalt  }
0x74: {  	_ =	shalt  }
0x75: {  	_ =	shalt  }
0x76: {  	_ =	shalt  }
0x77: {  	_ =	shalt  }
0x78: {  	_ =	shalt  }
0x79: {  	_ =	shalt  }
0x7a: {  	_ =	shalt  }
0x7b: {  	_ =	shalt  }
0x7c: {  	_ =	shalt  }
0x7d: {  	_ =	shalt  }
0x7e: {  	_ =	shalt  }
0x7f: {  	_ =	shalt  }
0x80: {  	_ =	shalt  }
0x81: {  	_ =	shalt  }
0x82: {  	_ =	shalt  }
0x83: {  	_ =	shalt  }
0x84: {  	_ =	shalt  }
0x85: {  	_ =	shalt  }
0x86: {  	_ =	shalt  }
0x87: {  	_ =	shalt  }
.Lfunc_end0:
.L_simem_size_0:
called_computation_lowered:
.L_overlay_start_0:
0x88: {  	s2 =	sld [smem:$0x3FD9]  }
0x89: {  	s3 =	sld [smem:$0x3FFE];
	_ =	sdelay $0x1  }
0x8a: {  	s1 =	srdreg.scid  }
0x8b: {  	s0 =	sand.u32 $0x1, s1  }
0x8c: {  	s17 =	sshll.u32 s0, $0xA;
	s2 =	sadd.s32 s3, s2  }
0x8d: {  	s2 =	sadd.s32 s2, s17  }
0x8e: {  	[smem:$0x3FC6] =	sst s2  }
0x8f: {  	_ = 	snop  }
0x90: {  	s2 =	sld [smem:$0x3FC9]  }
0x91: {  	s18 =	sld [smem:$0x3FC8];
	(tm) =	ssettm $0x1  }
0x92: {  	s4 =	sld [smem:$0x3FFB];
	_ =	sdelay $0x3  }
0x93: {  	_ =	strace s4  }
0x94: {  	s4 =	sld [smem:$0x3FFC];
	_ =	sdelay $0x3  }
0x95: {  	_ =	strace s4  }
0x96: {  	s4 =	sld [smem:$0x3FFD];
	_ =	sdelay $0x3  }
0x97: {  	_ =	strace s4  }
0x98: {  	_ =	strace $0x8FFFFFFF  }
0x99: {  	s19 =	sld [smem:$0x3FDB];
	_ =	sdelay $0x1  }
0x9a: {  	s5 =	simm.s32 $_scs_section_size  }
0x9b: {  	s6 =	simm.s32 $_size__tile_overlayer_lowered;
	s7 =	simm.s32 $_tile_overlayer_lowered  }
0x9c: {  	s22 =	simm.s32 $0x1BFF;
	s21 =	sshll.u32 s7, $0x1;
	s4 =	sadd.s32 s5, s19  }
0x9d: {  	s8 =	simm.s32 $0x0;
	s20 =	sshll.u32 s6, $0x1;
	s6 =	sadd.s32 s21, s4  }
0x9e: {  	[timem:s8], [sflag:s22] =	dma.local [hbm:s6], s20  }
0x9f: {  	_ =	swait.ge [sflag:s22], s20  }
0xa0: {  	s5 =	ssub.s32 $0x0, s20;
	[sflag:s22] =	ssyncset.done $0x0  }
0xa1: {  	[sflag:s22] =	ssyncadd.s32 s5;
	_ =	sdelay $0x1  }
0xa2: {  	s23 =	simm.s32 $0x1B8B  }
0xa3: {  	_ =	swait.ge [sflag:s23], $0x1  }
0xa4: {  	[sflag:s23] =	ssyncset.done $0x0  }
0xa5: {  	s25 =	simm.s32 $0x1B8E;
	s24 =	sld [smem:$0x3FFE];
	[sflag:s23] =	ssyncadd.s32 $0xFFFFFFFF  }
0xa6: {  	s26 =	simm.s32 $execute0_lowered;
	[smem:$0x3FD2] =	sst s25  }
0xa7: {  	s6 =	sshll.u32 s26, $0x1;
	_ =	strace $0x80000046;
	[dreg:$0x1] =	wrdreg $0xFFFFFFFF  }
0xa8: {  	s28 =	simm.s32 $_size_execute0_lowered;
	s4 =	sadd.s32 s4, s6;
	[dreg:$0x0] =	wrdreg $0x0  }
0xa9: {  	s6 =	sshll.u32 s28, $0x1;
	[dreg:$0x2] =	wrdreg s4  }
0xaa: {  	[dreg:$0x3] =	wrdreg s6  }
0xab: {  	[dreg:$0x4] =	wrdreg $0xC0  }
0xac: {  	_ =	task [dreg:s8], $0x5FFFF  }
0xad: {  	[dreg:$0x1] =	wrdreg $0xFFFFFFFF  }
0xae: {  	[dreg:$0x0] =	wrdreg $0x60  }
0xaf: {  	[dreg:$0x2] =	wrdreg s2  }
0xb0: {  	[dreg:$0x3] =	wrdreg s18  }
0xb1: {  	[dreg:$0x4] =	wrdreg s24  }
0xb2: {  	[dreg:$0x5] =	wrdreg $0x9  }
0xb3: {  	_ =	task.clear_ibuf [dreg:s8], $0x6FFFF;
	_ =	strace $0x90000046  }
0xb4: {  	s29 =	simm.s32 $0x9;
	_ =	strace $0x80000048  }
0xb5: {  	_ =	swait.ge [sflag:s29], $0x1  }
0xb6: {  	[sflag:s29] =	ssyncadd.s32 $0xFFFFFFFF  }
0xb7: {  	_ =	strace $0x90000048  }
0xb8: {  	_ =	sfence  }
0xb9: {  	s30 =	sld [smem:$0x0];
	_ =	sdelay $0x2  }
0xba: {  	s31 =	sshll.u32 s1, $0xD;
	s1 =	sshrl.u32 s1, $0x2  }
0xbb: {  	s3 =	sand.u32 $0x4000, s31;
	s1 =	sadd.s32 s1, s30  }
0xbc: {  	s0 =	sor.u32 s3, s0;
	s1 =	sshll.u32 s1, $0x11  }
0xbd: {  	s0 =	sor.u32 s1, s0  }
0xbe: {  	s0 =	sadd.s32 $0x8F2B, s0  }
0xbf: {  	[sflag:s0] =	ssyncadd.remote.s32 $0x1  }
0xc0: {  	_ =	sfence.sel $0xFFFF  }
0xc1: {  	[dreg:$0x0] =	wrdreg $0xFFFFFFFF;
	(pc) =	sbr.abs _section_cstart, $3  }
0xc2: {  	[dreg:$0x1] =	wrdreg $0xFFFFFFFF  }
0xc3: {  	_ =	task.clear_ibuf [dreg:s8], $0x2FFFF;
	_ =	strace $0x9FFFFFFF  }
0xc4: {  	(tm) =	ssettm $0x7FFFFFFF  }
0xc5: {  	_ =	shalt  }
tec
execute0_lowered:
.L_overlay_start_1:
0x0: {  	(tag) =	ssettag $0x1  }
0x1: {  	s3 =	rddreg [dreg:$0x0]  }
0x2: {  	s0 =	rddreg [dreg:$0x1];
	s1 =	srdreg.scid  }
0x3: {  	s5 =	rddreg [dreg:$0x2];
	s2 =	simm.s32 $0x0;
	s31 =	simm.s32 $0x80  }
0x4: {  	s8 =	simm.s32 $0x3080;
	s9 =	simm.s32 $0x5080;
	s10 =	simm.s32 $0x7080  }
0x5: {  	s11 =	simm.s32 $0x9080;
	s12 =	simm.s32 $0xB080;
	s13 =	simm.s32 $0xD080  }
0x6: {  	s14 =	simm.s32 $0xF080;
	s15 =	simm.s32 $0x11080;
	s16 =	simm.s32 $0x13080  }
0x7: {  	s17 =	simm.s32 $0x15080;
	s18 =	simm.s32 $0x17080;
	s19 =	simm.s32 $0x19080  }
0x8: {  	s20 =	simm.s32 $0x1B080;
	s21 =	simm.s32 $0x3;
	[dreg:$0x4] =	wrdreg s0  }
0x9: {  	s23 =	simm.s32 $0x880;
	s4 =	sand.u32 $0x1, s1;
	s1 =	rddreg [dreg:$0x3]  }
0xa: {  	s22 =	simm.s32 $0x1;
	s0 =	stileid.u32;
	[smem:$0x7FF] =	sst s2  }
0xb: {  	s6 =	sshll.u32 s0, $0x5;
	_ =	strace $0x80000047;
	[dreg:$0x8] =	wrdreg s31  }
0xc: {  	s7 =	sshll.u32 s4, $0x4;
	s4 =	ssub.s32 $0x2, s4;
	[dreg:$0x9] =	wrdreg s23  }
0xd: {  	s23 =	simm.s32 $0x4;
	s6 =	sor.u32 s7, s6;
	s29 =	sshrl.u32 s4, $0x1  }
0xe: {  	s7 =	sshll.u32 s6, $0x4;
	s6 =	sshrl.u32 s6, $0x3;
	s4 =	ssub.s32 s4, s29  }
0xf: {  	v0 =	vlaneseq.u32;
	s5 =	sadd.s32 s7, s5;
	s3 =	sadd.s32 s3, s6;
	s6 =	simm.s32 $0x7A1400  }
0x10: {  	v0 =	vmul.u32 $0x80, v0;
	s7 =	simm.s32 $0x1080;
	[dreg:$0x5] =	wrdreg s3;
	s28 =	sadd.s32 $0x400, s5  }
0x11: {  	s30 =	sadd.s32 $0x2400, s5;
	s3 =	smax.u32 s4, $0x1;
	[dreg:$0x6] =	wrdreg s28  }
0x12: {  	v1 =	vor.u32 $0x800, v0;
	v2 =	vor.u32 $0x1000, v0;
	v3 =	vor.u32 $0x1800, v0;
	s4 =	simm.s32 $0x2;
	s5 =	simm.s32 $0x400;
	[dreg:$0x7] =	wrdreg s30  }
.LBB2_1:
0x13: {  	s24 =	rddreg [dreg:$0x5]  }
0x14: {  	s25 =	rddreg [dreg:$0x6]  }
0x15: {  	[tilespmem:s2], [sflag:$0x2] =	stream.linear.gather [hbm4b:s24+s2], $0x10, $0x38;
	[tilespmem:$0x1D080] =	vst v63  }
0x16: {  	s26 =	rddreg [dreg:$0x8]  }
0x17: {  	[tilespmem:s26], [sflag:$0x3] =	stream.linear.gather [hbm4b:s25+s2], $0x800, $0x38;
	[tilespmem:$0x1D080] =	vst v63  }
0x18: {  	_ =	swait.ge [sflag:s4], $0x10  }
0x19: {  	[sflag:s4] =	ssyncset.done $0x0  }
0x1a: {  	[sflag:s4] =	ssyncadd.s32 $0xFFFFFFF0  }
0x1b: {  	v4 =	vld [tilespmem:$0x0];
	_ =	sdelay $0x4  }
0x1c: {  	s31 =	rddreg [dreg:$0x4];
	v5 =	vand.u32 $0xFFFFFF80, v4  }
0x1d: {  	v5 =	vadd.s32 s31, v5  }
0x1e: {  	(v2sf) =	vpush v5, $0x0;
	_ =	sdelay $0x1  }
0x1f: {  	(v2sf) =	vpush v5, $0x1;
	_ =	sdelay $0x1  }
0x20: {  	(v2sf) =	vpush v5, $0x2;
	_ =	sdelay $0x1  }
0x21: {  	(v2sf) =	vpush v5, $0x3;
	_ =	sdelay $0x1  }
0x22: {  	(v2sf) =	vpush v5, $0x4;
	_ =	sdelay $0x1  }
0x23: {  	(v2sf) =	vpush v5, $0x5;
	_ =	sdelay $0x1  }
0x24: {  	(v2sf) =	vpush v5, $0x6;
	_ =	sdelay $0x1  }
0x25: {  	(v2sf) =	vpush v5, $0x7  }
0x26: {  	s25 =	spop (v2sf)  }
0x27: {  	(v2sf) =	vpush v5, $0x8;
	[tilespmem:s7], [sflag:$0x1] =	stream.strided.gather [hbm4b:s25+s5], $0x2000, s6, s5, $0x38;
	[tilespmem:$0x1D080] =	vst v63  }
0x28: {  	s26 =	spop (v2sf)  }
0x29: {  	(v2sf) =	vpush v5, $0x9;
	[tilespmem:s8], [sflag:$0x1] =	stream.strided.gather [hbm4b:s26+s5], $0x2000, s6, s5, $0x38;
	[tilespmem:$0x1D080] =	vst v63  }
0x2a: {  	s28 =	spop (v2sf)  }
0x2b: {  	(v2sf) =	vpush v5, $0xA;
	[tilespmem:s9], [sflag:$0x1] =	stream.strided.gather [hbm4b:s28+s5], $0x2000, s6, s5, $0x38;
	[tilespmem:$0x1D080] =	vst v63  }
0x2c: {  	s29 =	spop (v2sf)  }
0x2d: {  	(v2sf) =	vpush v5, $0xB;
	[tilespmem:s10], [sflag:$0x1] =	stream.strided.gather [hbm4b:s29+s5], $0x2000, s6, s5, $0x38;
	[tilespmem:$0x1D080] =	vst v63  }
0x2e: {  	s30 =	spop (v2sf)  }
0x2f: {  	(v2sf) =	vpush v5, $0xC;
	[tilespmem:s11], [sflag:$0x1] =	stream.strided.gather [hbm4b:s30+s5], $0x2000, s6, s5, $0x38;
	[tilespmem:$0x1D080] =	vst v63  }
0x30: {  	s31 =	spop (v2sf)  }
0x31: {  	(v2sf) =	vpush v5, $0xD;
	[tilespmem:s12], [sflag:$0x1] =	stream.strided.gather [hbm4b:s31+s5], $0x2000, s6, s5, $0x38;
	[tilespmem:$0x1D080] =	vst v63  }
0x32: {  	s25 =	spop (v2sf)  }
0x33: {  	[tilespmem:s13], [sflag:$0x1] =	stream.strided.gather [hbm4b:s25+s5], $0x2000, s6, s5, $0x38;
	[tilespmem:$0x1D080] =	vst v63  }
0x34: {  	s26 =	spop (v2sf)  }
0x35: {  	[tilespmem:s14], [sflag:$0x1] =	stream.strided.gather [hbm4b:s26+s5], $0x2000, s6, s5, $0x38;
	[tilespmem:$0x1D080] =	vst v63  }
0x36: {  	s28 =	spop (v2sf)  }
0x37: {  	[tilespmem:s15], [sflag:$0x1] =	stream.strided.gather [hbm4b:s28+s5], $0x2000, s6, s5, $0x38;
	[tilespmem:$0x1D080] =	vst v63  }
0x38: {  	s29 =	spop (v2sf)  }
0x39: {  	[tilespmem:s16], [sflag:$0x1] =	stream.strided.gather [hbm4b:s29+s5], $0x2000, s6, s5, $0x38;
	[tilespmem:$0x1D080] =	vst v63  }
0x3a: {  	s30 =	spop (v2sf)  }
0x3b: {  	[tilespmem:s17], [sflag:$0x1] =	stream.strided.gather [hbm4b:s30+s5], $0x2000, s6, s5, $0x38;
	[tilespmem:$0x1D080] =	vst v63  }
0x3c: {  	s31 =	spop (v2sf)  }
0x3d: {  	[tilespmem:s18], [sflag:$0x1] =	stream.strided.gather [hbm4b:s31+s5], $0x2000, s6, s5, $0x38;
	[tilespmem:$0x1D080] =	vst v63  }
0x3e: {  	s25 =	spop (v2sf)  }
0x3f: {  	[tilespmem:s19], [sflag:$0x1] =	stream.strided.gather [hbm4b:s25+s5], $0x2000, s6, s5, $0x38;
	[tilespmem:$0x1D080] =	vst v63  }
0x40: {  	v4 =	vand.u32 $0x7F, v4;
	s26 =	spop (v2sf)  }
0x41: {  	v6 =	vbroadcast v4, $0x0;
	[tilespmem:s20], [sflag:$0x1] =	stream.strided.gather [hbm4b:s26+s5], $0x2000, s6, s5, $0x38;
	[tilespmem:$0x1D080] =	vst v63  }
0x42: {  	_ =	swait.ge [sflag:s21], $0x800  }
0x43: {  	v7 =	vor.u32 v0, v6;
	[sflag:s21] =	ssyncset.done $0x0  }
0x44: {  	[sflag:s21] =	ssyncadd.s32 $0xFFFFF800  }
0x45: {  	_ =	swait.ge [sflag:s22], $0x2000  }
0x46: {  	[sflag:s22] =	ssyncset.done $0x0  }
0x47: {  	[sflag:s22] =	ssyncadd.s32 $0xFFFFE000  }
0x48: {  	v7 =	vld.idx.msk [tilespmem:v7+s7+$0x0], $0xffff  }
0x49: {  	v8 =	vld [tilespmem:$0x80];
	_ =	sdelay $0x2  }
0x4a: {  	v9 =	vor.u32 v1, v6;
	_ =	sdelay $0x1  }
0x4b: {  	v7 =	vadd.f32 v8, v7;
	_ =	sdelay $0x1  }
0x4c: {  	v48 =	vld [tilespmem:$0x90];
	[tilespmem:$0x880] =	vst v7  }
0x4d: {  	v7 =	vld.idx.msk [tilespmem:v9+s7+$0x0], $0xffff;
	_ =	sdelay $0x2  }
0x4e: {  	v49 =	vor.u32 v2, v6;
	_ =	sdelay $0x1  }
0x4f: {  	v7 =	vadd.f32 v48, v7;
	_ =	sdelay $0x1  }
0x50: {  	v50 =	vld [tilespmem:$0xA0];
	[tilespmem:$0x890] =	vst v7  }
0x51: {  	(v2sf) =	vpush v5, $0xE;
	v7 =	vld.idx.msk [tilespmem:v49+s7+$0x0], $0xffff;
	_ =	sdelay $0x2  }
0x52: {  	v6 =	vor.u32 v3, v6;
	_ =	sdelay $0x1  }
0x53: {  	v7 =	vadd.f32 v50, v7;
	_ =	sdelay $0x1  }
0x54: {  	v51 =	vld [tilespmem:$0xB0];
	[tilespmem:$0x8A0] =	vst v7  }
0x55: {  	v6 =	vld.idx.msk [tilespmem:v6+s7+$0x0], $0xffff;
	_ =	sdelay $0x4  }
0x56: {  	v52 =	vbroadcast v4, $0x1;
	v6 =	vadd.f32 v51, v6;
	_ =	sdelay $0x1  }
0x57: {  	v53 =	vor.u32 v0, v52;
	s28 =	spop (v2sf);
	[tilespmem:$0x8B0] =	vst v6  }
0x58: {  	[tilespmem:s7], [sflag:$0x1] =	stream.strided.gather [hbm4b:s28+s5], $0x2000, s6, s5, $0x38;
	[tilespmem:$0x1D080] =	vst v63  }
0x59: {  	_ =	swait.ge [sflag:s22], $0x2000  }
0x5a: {  	[sflag:s22] =	ssyncset.done $0x0  }
0x5b: {  	[sflag:s22] =	ssyncadd.s32 $0xFFFFE000  }
0x5c: {  	v6 =	vld.idx.msk [tilespmem:v53+s8+$0x0], $0xffff  }
0x5d: {  	v54 =	vld [tilespmem:$0x100];
	_ =	sdelay $0x2  }
0x5e: {  	v55 =	vor.u32 v1, v52;
	_ =	sdelay $0x1  }
0x5f: {  	v6 =	vadd.f32 v54, v6;
	_ =	sdelay $0x1  }
0x60: {  	v56 =	vld [tilespmem:$0x110];
	[tilespmem:$0x900] =	vst v6  }
0x61: {  	v6 =	vld.idx.msk [tilespmem:v55+s8+$0x0], $0xffff;
	_ =	sdelay $0x2  }
0x62: {  	v57 =	vor.u32 v2, v52;
	_ =	sdelay $0x1  }
0x63: {  	v6 =	vadd.f32 v56, v6;
	_ =	sdelay $0x1  }
0x64: {  	v58 =	vld [tilespmem:$0x120];
	[tilespmem:$0x910] =	vst v6  }
0x65: {  	(v2sf) =	vpush v5, $0xF;
	v6 =	vld.idx.msk [tilespmem:v57+s8+$0x0], $0xffff;
	_ =	sdelay $0x2  }
0x66: {  	v5 =	vor.u32 v3, v52;
	_ =	sdelay $0x1  }
0x67: {  	v6 =	vadd.f32 v58, v6;
	_ =	sdelay $0x1  }
0x68: {  	v59 =	vld [tilespmem:$0x130];
	[tilespmem:$0x920] =	vst v6  }
0x69: {  	v5 =	vld.idx.msk [tilespmem:v5+s8+$0x0], $0xffff;
	_ =	sdelay $0x4  }
0x6a: {  	v60 =	vbroadcast v4, $0x2;
	v5 =	vadd.f32 v59, v5;
	_ =	sdelay $0x1  }
0x6b: {  	s29 =	spop (v2sf);
	[tilespmem:$0x930] =	vst v5;
	v5 =	vor.u32 v0, v60  }
0x6c: {  	[tilespmem:s8], [sflag:$0x1] =	stream.strided.gather [hbm4b:s29+s5], $0x2000, s6, s5, $0x38;
	[tilespmem:$0x1D080] =	vst v63  }
0x6d: {  	_ =	swait.ge [sflag:s22], $0x2000  }
0x6e: {  	[sflag:s22] =	ssyncset.done $0x0  }
0x6f: {  	[sflag:s22] =	ssyncadd.s32 $0xFFFFE000  }
0x70: {  	v5 =	vld.idx.msk [tilespmem:v5+s9+$0x0], $0xffff  }
0x71: {  	v61 =	vld [tilespmem:$0x180];
	_ =	sdelay $0x2  }
0x72: {  	v62 =	vor.u32 v1, v60;
	_ =	sdelay $0x1  }
0x73: {  	v5 =	vadd.f32 v61, v5;
	_ =	sdelay $0x1  }
0x74: {  	v63 =	vld [tilespmem:$0x190];
	[tilespmem:$0x980] =	vst v5  }
0x75: {  	v5 =	vld.idx.msk [tilespmem:v62+s9+$0x0], $0xffff;
	_ =	sdelay $0x2  }
0x76: {  	v12 =	vor.u32 v2, v60;
	_ =	sdelay $0x1  }
0x77: {  	v5 =	vadd.f32 v63, v5;
	_ =	sdelay $0x1  }
0x78: {  	v13 =	vld [tilespmem:$0x1A0];
	[tilespmem:$0x990] =	vst v5  }
0x79: {  	v5 =	vld.idx.msk [tilespmem:v12+s9+$0x0], $0xffff;
	_ =	sdelay $0x2  }
0x7a: {  	v6 =	vor.u32 v3, v60;
	_ =	sdelay $0x1  }
0x7b: {  	v5 =	vadd.f32 v13, v5;
	_ =	sdelay $0x1  }
0x7c: {  	v14 =	vld [tilespmem:$0x1B0];
	[tilespmem:$0x9A0] =	vst v5  }
0x7d: {  	v5 =	vld.idx.msk [tilespmem:v6+s9+$0x0], $0xffff;
	_ =	sdelay $0x3  }
0x7e: {  	v15 =	vbroadcast v4, $0x3  }
0x7f: {  	v5 =	vadd.f32 v14, v5  }
0x80: {  	v16 =	vor.u32 v0, v15  }
0x81: {  	[tilespmem:$0x9B0] =	vst v5  }
0x82: {  	_ =	swait.ge [sflag:s22], $0x2000  }
0x83: {  	[sflag:s22] =	ssyncset.done $0x0  }
0x84: {  	[sflag:s22] =	ssyncadd.s32 $0xFFFFE000  }
0x85: {  	v5 =	vld.idx.msk [tilespmem:v16+s10+$0x0], $0xffff  }
0x86: {  	v17 =	vld [tilespmem:$0x200];
	_ =	sdelay $0x2  }
0x87: {  	v18 =	vor.u32 v1, v15;
	_ =	sdelay $0x1  }
0x88: {  	v5 =	vadd.f32 v17, v5;
	_ =	sdelay $0x1  }
0x89: {  	v19 =	vld [tilespmem:$0x210];
	[tilespmem:$0xA00] =	vst v5  }
0x8a: {  	v5 =	vld.idx.msk [tilespmem:v18+s10+$0x0], $0xffff;
	_ =	sdelay $0x2  }
0x8b: {  	v20 =	vor.u32 v2, v15;
	_ =	sdelay $0x1  }
0x8c: {  	v5 =	vadd.f32 v19, v5;
	_ =	sdelay $0x1  }
0x8d: {  	v21 =	vld [tilespmem:$0x220];
	[tilespmem:$0xA10] =	vst v5  }
0x8e: {  	v5 =	vld.idx.msk [tilespmem:v20+s10+$0x0], $0xffff;
	_ =	sdelay $0x2  }
0x8f: {  	v7 =	vor.u32 v3, v15;
	_ =	sdelay $0x1  }
0x90: {  	v5 =	vadd.f32 v21, v5;
	_ =	sdelay $0x1  }
0x91: {  	v22 =	vld [tilespmem:$0x230];
	[tilespmem:$0xA20] =	vst v5  }
0x92: {  	v5 =	vld.idx.msk [tilespmem:v7+s10+$0x0], $0xffff;
	_ =	sdelay $0x3  }
0x93: {  	v23 =	vbroadcast v4, $0x4  }
0x94: {  	v5 =	vadd.f32 v22, v5  }
0x95: {  	v24 =	vor.u32 v0, v23  }
0x96: {  	[tilespmem:$0xA30] =	vst v5  }
0x97: {  	_ =	swait.ge [sflag:s22], $0x2000  }
0x98: {  	[sflag:s22] =	ssyncset.done $0x0  }
0x99: {  	[sflag:s22] =	ssyncadd.s32 $0xFFFFE000  }
0x9a: {  	v5 =	vld.idx.msk [tilespmem:v24+s11+$0x0], $0xffff  }
0x9b: {  	v25 =	vld [tilespmem:$0x280];
	_ =	sdelay $0x2  }
0x9c: {  	v26 =	vor.u32 v1, v23;
	_ =	sdelay $0x1  }
0x9d: {  	v5 =	vadd.f32 v25, v5;
	_ =	sdelay $0x1  }
0x9e: {  	v27 =	vld [tilespmem:$0x290];
	[tilespmem:$0xA80] =	vst v5  }
0x9f: {  	v5 =	vld.idx.msk [tilespmem:v26+s11+$0x0], $0xffff;
	_ =	sdelay $0x2  }
0xa0: {  	v28 =	vor.u32 v2, v23;
	_ =	sdelay $0x1  }
0xa1: {  	v5 =	vadd.f32 v27, v5;
	_ =	sdelay $0x1  }
0xa2: {  	v29 =	vld [tilespmem:$0x2A0];
	[tilespmem:$0xA90] =	vst v5  }
0xa3: {  	v5 =	vld.idx.msk [tilespmem:v28+s11+$0x0], $0xffff;
	_ =	sdelay $0x2  }
0xa4: {  	v7 =	vor.u32 v3, v23;
	_ =	sdelay $0x1  }
0xa5: {  	v5 =	vadd.f32 v29, v5;
	_ =	sdelay $0x1  }
0xa6: {  	v30 =	vld [tilespmem:$0x2B0];
	[tilespmem:$0xAA0] =	vst v5  }
0xa7: {  	v5 =	vld.idx.msk [tilespmem:v7+s11+$0x0], $0xffff;
	_ =	sdelay $0x3  }
0xa8: {  	v31 =	vbroadcast v4, $0x5  }
0xa9: {  	v5 =	vadd.f32 v30, v5  }
0xaa: {  	v32 =	vor.u32 v0, v31  }
0xab: {  	[tilespmem:$0xAB0] =	vst v5  }
0xac: {  	_ =	swait.ge [sflag:s22], $0x2000  }
0xad: {  	[sflag:s22] =	ssyncset.done $0x0  }
0xae: {  	[sflag:s22] =	ssyncadd.s32 $0xFFFFE000  }
0xaf: {  	v5 =	vld.idx.msk [tilespmem:v32+s12+$0x0], $0xffff  }
0xb0: {  	v33 =	vld [tilespmem:$0x300];
	_ =	sdelay $0x2  }
0xb1: {  	v34 =	vor.u32 v1, v31;
	_ =	sdelay $0x1  }
0xb2: {  	v5 =	vadd.f32 v33, v5;
	_ =	sdelay $0x1  }
0xb3: {  	v35 =	vld [tilespmem:$0x310];
	[tilespmem:$0xB00] =	vst v5  }
0xb4: {  	v5 =	vld.idx.msk [tilespmem:v34+s12+$0x0], $0xffff;
	_ =	sdelay $0x2  }
0xb5: {  	v36 =	vor.u32 v2, v31;
	_ =	sdelay $0x1  }
0xb6: {  	v5 =	vadd.f32 v35, v5;
	_ =	sdelay $0x1  }
0xb7: {  	v37 =	vld [tilespmem:$0x320];
	[tilespmem:$0xB10] =	vst v5  }
0xb8: {  	v5 =	vld.idx.msk [tilespmem:v36+s12+$0x0], $0xffff;
	_ =	sdelay $0x2  }
0xb9: {  	v7 =	vor.u32 v3, v31;
	_ =	sdelay $0x1  }
0xba: {  	v5 =	vadd.f32 v37, v5;
	_ =	sdelay $0x1  }
0xbb: {  	v38 =	vld [tilespmem:$0x330];
	[tilespmem:$0xB20] =	vst v5  }
0xbc: {  	v5 =	vld.idx.msk [tilespmem:v7+s12+$0x0], $0xffff;
	_ =	sdelay $0x3  }
0xbd: {  	v39 =	vbroadcast v4, $0x6  }
0xbe: {  	v5 =	vadd.f32 v38, v5  }
0xbf: {  	v40 =	vor.u32 v0, v39  }
0xc0: {  	[tilespmem:$0xB30] =	vst v5  }
0xc1: {  	_ =	swait.ge [sflag:s22], $0x2000  }
0xc2: {  	[sflag:s22] =	ssyncset.done $0x0  }
0xc3: {  	[sflag:s22] =	ssyncadd.s32 $0xFFFFE000  }
0xc4: {  	v5 =	vld.idx.msk [tilespmem:v40+s13+$0x0], $0xffff  }
0xc5: {  	v41 =	vld [tilespmem:$0x380];
	_ =	sdelay $0x2  }
0xc6: {  	v42 =	vor.u32 v1, v39;
	_ =	sdelay $0x1  }
0xc7: {  	v5 =	vadd.f32 v41, v5;
	_ =	sdelay $0x1  }
0xc8: {  	v43 =	vld [tilespmem:$0x390];
	[tilespmem:$0xB80] =	vst v5  }
0xc9: {  	v5 =	vld.idx.msk [tilespmem:v42+s13+$0x0], $0xffff;
	_ =	sdelay $0x2  }
0xca: {  	v44 =	vor.u32 v2, v39;
	_ =	sdelay $0x1  }
0xcb: {  	v5 =	vadd.f32 v43, v5;
	_ =	sdelay $0x1  }
0xcc: {  	v45 =	vld [tilespmem:$0x3A0];
	[tilespmem:$0xB90] =	vst v5  }
0xcd: {  	v5 =	vld.idx.msk [tilespmem:v44+s13+$0x0], $0xffff;
	_ =	sdelay $0x2  }
0xce: {  	v7 =	vor.u32 v3, v39;
	_ =	sdelay $0x1  }
0xcf: {  	v5 =	vadd.f32 v45, v5;
	_ =	sdelay $0x1  }
0xd0: {  	v46 =	vld [tilespmem:$0x3B0];
	[tilespmem:$0xBA0] =	vst v5  }
0xd1: {  	v5 =	vld.idx.msk [tilespmem:v7+s13+$0x0], $0xffff;
	_ =	sdelay $0x3  }
0xd2: {  	v47 =	vbroadcast v4, $0x7  }
0xd3: {  	v5 =	vadd.f32 v46, v5  }
0xd4: {  	v48 =	vor.u32 v0, v47  }
0xd5: {  	[tilespmem:$0xBB0] =	vst v5  }
0xd6: {  	_ =	swait.ge [sflag:s22], $0x2000  }
0xd7: {  	[sflag:s22] =	ssyncset.done $0x0  }
0xd8: {  	[sflag:s22] =	ssyncadd.s32 $0xFFFFE000  }
0xd9: {  	v5 =	vld.idx.msk [tilespmem:v48+s14+$0x0], $0xffff  }
0xda: {  	v49 =	vld [tilespmem:$0x400];
	_ =	sdelay $0x2  }
0xdb: {  	v50 =	vor.u32 v1, v47;
	_ =	sdelay $0x1  }
0xdc: {  	v5 =	vadd.f32 v49, v5;
	_ =	sdelay $0x1  }
0xdd: {  	v51 =	vld [tilespmem:$0x410];
	[tilespmem:$0xC00] =	vst v5  }
0xde: {  	v5 =	vld.idx.msk [tilespmem:v50+s14+$0x0], $0xffff;
	_ =	sdelay $0x2  }
0xdf: {  	v52 =	vor.u32 v2, v47;
	_ =	sdelay $0x1  }
0xe0: {  	v5 =	vadd.f32 v51, v5;
	_ =	sdelay $0x1  }
0xe1: {  	v53 =	vld [tilespmem:$0x420];
	[tilespmem:$0xC10] =	vst v5  }
0xe2: {  	v5 =	vld.idx.msk [tilespmem:v52+s14+$0x0], $0xffff;
	_ =	sdelay $0x2  }
0xe3: {  	v7 =	vor.u32 v3, v47;
	_ =	sdelay $0x1  }
0xe4: {  	v5 =	vadd.f32 v53, v5;
	_ =	sdelay $0x1  }
0xe5: {  	v54 =	vld [tilespmem:$0x430];
	[tilespmem:$0xC20] =	vst v5  }
0xe6: {  	v5 =	vld.idx.msk [tilespmem:v7+s14+$0x0], $0xffff;
	_ =	sdelay $0x3  }
0xe7: {  	v55 =	vbroadcast v4, $0x8  }
0xe8: {  	v5 =	vadd.f32 v54, v5  }
0xe9: {  	v56 =	vor.u32 v0, v55  }
0xea: {  	[tilespmem:$0xC30] =	vst v5  }
0xeb: {  	_ =	swait.ge [sflag:s22], $0x2000  }
0xec: {  	[sflag:s22] =	ssyncset.done $0x0  }
0xed: {  	[sflag:s22] =	ssyncadd.s32 $0xFFFFE000  }
0xee: {  	v5 =	vld.idx.msk [tilespmem:v56+s15+$0x0], $0xffff  }
0xef: {  	v57 =	vld [tilespmem:$0x480];
	_ =	sdelay $0x2  }
0xf0: {  	v58 =	vor.u32 v1, v55;
	_ =	sdelay $0x1  }
0xf1: {  	v5 =	vadd.f32 v57, v5;
	_ =	sdelay $0x1  }
0xf2: {  	v59 =	vld [tilespmem:$0x490];
	[tilespmem:$0xC80] =	vst v5  }
0xf3: {  	v5 =	vld.idx.msk [tilespmem:v58+s15+$0x0], $0xffff;
	_ =	sdelay $0x2  }
0xf4: {  	v60 =	vor.u32 v2, v55;
	_ =	sdelay $0x1  }
0xf5: {  	v5 =	vadd.f32 v59, v5;
	_ =	sdelay $0x1  }
0xf6: {  	v61 =	vld [tilespmem:$0x4A0];
	[tilespmem:$0xC90] =	vst v5  }
0xf7: {  	v5 =	vld.idx.msk [tilespmem:v60+s15+$0x0], $0xffff;
	_ =	sdelay $0x2  }
0xf8: {  	v7 =	vor.u32 v3, v55;
	_ =	sdelay $0x1  }
0xf9: {  	v5 =	vadd.f32 v61, v5;
	_ =	sdelay $0x1  }
0xfa: {  	v62 =	vld [tilespmem:$0x4B0];
	[tilespmem:$0xCA0] =	vst v5  }
0xfb: {  	v5 =	vld.idx.msk [tilespmem:v7+s15+$0x0], $0xffff;
	_ =	sdelay $0x3  }
0xfc: {  	v63 =	vbroadcast v4, $0x9  }
0xfd: {  	v5 =	vadd.f32 v62, v5  }
0xfe: {  	v11 =	vor.u32 v0, v63  }
0xff: {  	[tilespmem:$0xCB0] =	vst v5  }
0x100: {  	_ =	swait.ge [sflag:s22], $0x2000  }
0x101: {  	[sflag:s22] =	ssyncset.done $0x0  }
0x102: {  	[sflag:s22] =	ssyncadd.s32 $0xFFFFE000  }
0x103: {  	v5 =	vld.idx.msk [tilespmem:v11+s16+$0x0], $0xffff  }
0x104: {  	v12 =	vld [tilespmem:$0x500];
	_ =	sdelay $0x2  }
0x105: {  	v13 =	vor.u32 v1, v63;
	_ =	sdelay $0x1  }
0x106: {  	v5 =	vadd.f32 v12, v5;
	_ =	sdelay $0x1  }
0x107: {  	v14 =	vld [tilespmem:$0x510];
	[tilespmem:$0xD00] =	vst v5  }
0x108: {  	v5 =	vld.idx.msk [tilespmem:v13+s16+$0x0], $0xffff;
	_ =	sdelay $0x2  }
0x109: {  	v15 =	vor.u32 v2, v63;
	_ =	sdelay $0x1  }
0x10a: {  	v5 =	vadd.f32 v14, v5;
	_ =	sdelay $0x1  }
0x10b: {  	v16 =	vld [tilespmem:$0x520];
	[tilespmem:$0xD10] =	vst v5  }
0x10c: {  	v5 =	vld.idx.msk [tilespmem:v15+s16+$0x0], $0xffff;
	_ =	sdelay $0x2  }
0x10d: {  	v7 =	vor.u32 v3, v63;
	_ =	sdelay $0x1  }
0x10e: {  	v5 =	vadd.f32 v16, v5;
	_ =	sdelay $0x1  }
0x10f: {  	v17 =	vld [tilespmem:$0x530];
	[tilespmem:$0xD20] =	vst v5  }
0x110: {  	v5 =	vld.idx.msk [tilespmem:v7+s16+$0x0], $0xffff;
	_ =	sdelay $0x3  }
0x111: {  	v18 =	vbroadcast v4, $0xA  }
0x112: {  	v5 =	vadd.f32 v17, v5  }
0x113: {  	v19 =	vor.u32 v0, v18  }
0x114: {  	[tilespmem:$0xD30] =	vst v5  }
0x115: {  	_ =	swait.ge [sflag:s22], $0x2000  }
0x116: {  	[sflag:s22] =	ssyncset.done $0x0  }
0x117: {  	[sflag:s22] =	ssyncadd.s32 $0xFFFFE000  }
0x118: {  	v5 =	vld.idx.msk [tilespmem:v19+s17+$0x0], $0xffff  }
0x119: {  	v20 =	vld [tilespmem:$0x580];
	_ =	sdelay $0x2  }
0x11a: {  	v21 =	vor.u32 v1, v18;
	_ =	sdelay $0x1  }
0x11b: {  	v5 =	vadd.f32 v20, v5;
	_ =	sdelay $0x1  }
0x11c: {  	v22 =	vld [tilespmem:$0x590];
	[tilespmem:$0xD80] =	vst v5  }
0x11d: {  	v5 =	vld.idx.msk [tilespmem:v21+s17+$0x0], $0xffff;
	_ =	sdelay $0x2  }
0x11e: {  	v23 =	vor.u32 v2, v18;
	_ =	sdelay $0x1  }
0x11f: {  	v5 =	vadd.f32 v22, v5;
	_ =	sdelay $0x1  }
0x120: {  	v24 =	vld [tilespmem:$0x5A0];
	[tilespmem:$0xD90] =	vst v5  }
0x121: {  	v5 =	vld.idx.msk [tilespmem:v23+s17+$0x0], $0xffff;
	_ =	sdelay $0x2  }
0x122: {  	v7 =	vor.u32 v3, v18;
	_ =	sdelay $0x1  }
0x123: {  	v5 =	vadd.f32 v24, v5;
	_ =	sdelay $0x1  }
0x124: {  	v25 =	vld [tilespmem:$0x5B0];
	[tilespmem:$0xDA0] =	vst v5  }
0x125: {  	v5 =	vld.idx.msk [tilespmem:v7+s17+$0x0], $0xffff;
	_ =	sdelay $0x3  }
0x126: {  	v26 =	vbroadcast v4, $0xB  }
0x127: {  	v5 =	vadd.f32 v25, v5  }
0x128: {  	v27 =	vor.u32 v0, v26  }
0x129: {  	[tilespmem:$0xDB0] =	vst v5  }
0x12a: {  	_ =	swait.ge [sflag:s22], $0x2000  }
0x12b: {  	[sflag:s22] =	ssyncset.done $0x0  }
0x12c: {  	[sflag:s22] =	ssyncadd.s32 $0xFFFFE000  }
0x12d: {  	v5 =	vld.idx.msk [tilespmem:v27+s18+$0x0], $0xffff  }
0x12e: {  	v28 =	vld [tilespmem:$0x600];
	_ =	sdelay $0x2  }
0x12f: {  	v29 =	vor.u32 v1, v26;
	_ =	sdelay $0x1  }
0x130: {  	v5 =	vadd.f32 v28, v5;
	_ =	sdelay $0x1  }
0x131: {  	v30 =	vld [tilespmem:$0x610];
	[tilespmem:$0xE00] =	vst v5  }
0x132: {  	v5 =	vld.idx.msk [tilespmem:v29+s18+$0x0], $0xffff;
	_ =	sdelay $0x2  }
0x133: {  	v31 =	vor.u32 v2, v26;
	_ =	sdelay $0x1  }
0x134: {  	v5 =	vadd.f32 v30, v5;
	_ =	sdelay $0x1  }
0x135: {  	v32 =	vld [tilespmem:$0x620];
	[tilespmem:$0xE10] =	vst v5  }
0x136: {  	v5 =	vld.idx.msk [tilespmem:v31+s18+$0x0], $0xffff;
	_ =	sdelay $0x2  }
0x137: {  	v7 =	vor.u32 v3, v26;
	_ =	sdelay $0x1  }
0x138: {  	v5 =	vadd.f32 v32, v5;
	_ =	sdelay $0x1  }
0x139: {  	v33 =	vld [tilespmem:$0x630];
	[tilespmem:$0xE20] =	vst v5  }
0x13a: {  	v5 =	vld.idx.msk [tilespmem:v7+s18+$0x0], $0xffff;
	_ =	sdelay $0x3  }
0x13b: {  	v34 =	vbroadcast v4, $0xC  }
0x13c: {  	v5 =	vadd.f32 v33, v5  }
0x13d: {  	v35 =	vor.u32 v0, v34  }
0x13e: {  	[tilespmem:$0xE30] =	vst v5  }
0x13f: {  	_ =	swait.ge [sflag:s22], $0x2000  }
0x140: {  	[sflag:s22] =	ssyncset.done $0x0  }
0x141: {  	[sflag:s22] =	ssyncadd.s32 $0xFFFFE000  }
0x142: {  	v5 =	vld.idx.msk [tilespmem:v35+s19+$0x0], $0xffff  }
0x143: {  	v36 =	vld [tilespmem:$0x680];
	_ =	sdelay $0x2  }
0x144: {  	v37 =	vor.u32 v1, v34;
	_ =	sdelay $0x1  }
0x145: {  	v5 =	vadd.f32 v36, v5;
	_ =	sdelay $0x1  }
0x146: {  	v38 =	vld [tilespmem:$0x690];
	[tilespmem:$0xE80] =	vst v5  }
0x147: {  	v5 =	vld.idx.msk [tilespmem:v37+s19+$0x0], $0xffff;
	_ =	sdelay $0x2  }
0x148: {  	v39 =	vor.u32 v2, v34;
	_ =	sdelay $0x1  }
0x149: {  	v5 =	vadd.f32 v38, v5;
	_ =	sdelay $0x1  }
0x14a: {  	v40 =	vld [tilespmem:$0x6A0];
	[tilespmem:$0xE90] =	vst v5  }
0x14b: {  	v5 =	vld.idx.msk [tilespmem:v39+s19+$0x0], $0xffff;
	_ =	sdelay $0x2  }
0x14c: {  	v7 =	vor.u32 v3, v34;
	_ =	sdelay $0x1  }
0x14d: {  	v5 =	vadd.f32 v40, v5;
	_ =	sdelay $0x1  }
0x14e: {  	v41 =	vld [tilespmem:$0x6B0];
	[tilespmem:$0xEA0] =	vst v5  }
0x14f: {  	v5 =	vld.idx.msk [tilespmem:v7+s19+$0x0], $0xffff;
	_ =	sdelay $0x3  }
0x150: {  	v42 =	vbroadcast v4, $0xD  }
0x151: {  	v5 =	vadd.f32 v41, v5  }
0x152: {  	v43 =	vor.u32 v0, v42  }
0x153: {  	[tilespmem:$0xEB0] =	vst v5  }
0x154: {  	_ =	swait.ge [sflag:s22], $0x2000  }
0x155: {  	[sflag:s22] =	ssyncset.done $0x0  }
0x156: {  	[sflag:s22] =	ssyncadd.s32 $0xFFFFE000  }
0x157: {  	v5 =	vld.idx.msk [tilespmem:v43+s20+$0x0], $0xffff  }
0x158: {  	v44 =	vld [tilespmem:$0x700];
	_ =	sdelay $0x2  }
0x159: {  	v45 =	vor.u32 v1, v42;
	_ =	sdelay $0x1  }
0x15a: {  	v5 =	vadd.f32 v44, v5;
	_ =	sdelay $0x1  }
0x15b: {  	v46 =	vld [tilespmem:$0x710];
	[tilespmem:$0xF00] =	vst v5  }
0x15c: {  	v5 =	vld.idx.msk [tilespmem:v45+s20+$0x0], $0xffff;
	_ =	sdelay $0x2  }
0x15d: {  	v47 =	vor.u32 v2, v42;
	_ =	sdelay $0x1  }
0x15e: {  	v5 =	vadd.f32 v46, v5;
	_ =	sdelay $0x1  }
0x15f: {  	v48 =	vld [tilespmem:$0x720];
	[tilespmem:$0xF10] =	vst v5  }
0x160: {  	v5 =	vld.idx.msk [tilespmem:v47+s20+$0x0], $0xffff;
	_ =	sdelay $0x2  }
0x161: {  	v7 =	vor.u32 v3, v42;
	_ =	sdelay $0x1  }
0x162: {  	v5 =	vadd.f32 v48, v5;
	_ =	sdelay $0x1  }
0x163: {  	v49 =	vld [tilespmem:$0x730];
	[tilespmem:$0xF20] =	vst v5  }
0x164: {  	v5 =	vld.idx.msk [tilespmem:v7+s20+$0x0], $0xffff;
	_ =	sdelay $0x3  }
0x165: {  	v50 =	vbroadcast v4, $0xE  }
0x166: {  	v5 =	vadd.f32 v49, v5  }
0x167: {  	v51 =	vor.u32 v0, v50  }
0x168: {  	[tilespmem:$0xF30] =	vst v5  }
0x169: {  	_ =	swait.ge [sflag:s22], $0x2000  }
0x16a: {  	[sflag:s22] =	ssyncset.done $0x0  }
0x16b: {  	[sflag:s22] =	ssyncadd.s32 $0xFFFFE000  }
0x16c: {  	v5 =	vld.idx.msk [tilespmem:v51+s7+$0x0], $0xffff  }
0x16d: {  	v52 =	vld [tilespmem:$0x780];
	_ =	sdelay $0x2  }
0x16e: {  	v53 =	vor.u32 v1, v50;
	_ =	sdelay $0x1  }
0x16f: {  	v5 =	vadd.f32 v52, v5;
	_ =	sdelay $0x1  }
0x170: {  	v54 =	vld [tilespmem:$0x790];
	[tilespmem:$0xF80] =	vst v5  }
0x171: {  	v5 =	vld.idx.msk [tilespmem:v53+s7+$0x0], $0xffff;
	_ =	sdelay $0x2  }
0x172: {  	v55 =	vor.u32 v2, v50;
	_ =	sdelay $0x1  }
0x173: {  	v5 =	vadd.f32 v54, v5;
	_ =	sdelay $0x1  }
0x174: {  	v56 =	vld [tilespmem:$0x7A0];
	[tilespmem:$0xF90] =	vst v5  }
0x175: {  	v5 =	vld.idx.msk [tilespmem:v55+s7+$0x0], $0xffff;
	_ =	sdelay $0x2  }
0x176: {  	v7 =	vor.u32 v3, v50;
	_ =	sdelay $0x1  }
0x177: {  	v5 =	vadd.f32 v56, v5;
	_ =	sdelay $0x1  }
0x178: {  	v57 =	vld [tilespmem:$0x7B0];
	[tilespmem:$0xFA0] =	vst v5  }
0x179: {  	v5 =	vld.idx.msk [tilespmem:v7+s7+$0x0], $0xffff;
	_ =	sdelay $0x3  }
0x17a: {  	v4 =	vbroadcast v4, $0xF  }
0x17b: {  	v5 =	vadd.f32 v57, v5  }
0x17c: {  	v58 =	vor.u32 v0, v4  }
0x17d: {  	[tilespmem:$0xFB0] =	vst v5  }
0x17e: {  	_ =	swait.ge [sflag:s22], $0x2000  }
0x17f: {  	[sflag:s22] =	ssyncset.done $0x0  }
0x180: {  	[sflag:s22] =	ssyncadd.s32 $0xFFFFE000  }
0x181: {  	v5 =	vld.idx.msk [tilespmem:v58+s8+$0x0], $0xffff  }
0x182: {  	v59 =	vld [tilespmem:$0x800];
	_ =	sdelay $0x2  }
0x183: {  	v60 =	vor.u32 v1, v4;
	_ =	sdelay $0x1  }
0x184: {  	v5 =	vadd.f32 v59, v5;
	_ =	sdelay $0x1  }
0x185: {  	v61 =	vld [tilespmem:$0x810];
	[tilespmem:$0x1000] =	vst v5  }
0x186: {  	v5 =	vld.idx.msk [tilespmem:v60+s8+$0x0], $0xffff;
	_ =	sdelay $0x2  }
0x187: {  	v62 =	vor.u32 v2, v4;
	_ =	sdelay $0x1  }
0x188: {  	v5 =	vadd.f32 v61, v5;
	_ =	sdelay $0x1  }
0x189: {  	v63 =	vld [tilespmem:$0x820];
	[tilespmem:$0x1010] =	vst v5  }
0x18a: {  	v5 =	vld.idx.msk [tilespmem:v62+s8+$0x0], $0xffff;
	_ =	sdelay $0x2  }
0x18b: {  	v4 =	vor.u32 v3, v4;
	_ =	sdelay $0x1  }
0x18c: {  	v5 =	vadd.f32 v63, v5;
	_ =	sdelay $0x1  }
0x18d: {  	[tilespmem:$0x1020] =	vst v5;
	v5 =	vld [tilespmem:$0x830]  }
0x18e: {  	v4 =	vld.idx.msk [tilespmem:v4+s8+$0x0], $0xffff;
	_ =	sdelay $0x4  }
0x18f: {  	v4 =	vadd.f32 v5, v4  }
0x190: {  	p0 =	sne.s32 s3, $0x1;
	s30 =	rddreg [dreg:$0x7]  }
.Ltmp0:
0x191: {  	s31 =	rddreg [dreg:$0x9];
	[tilespmem:$0x1030] =	vst v4;
	(pc) =	sbr.rel @p0 .LBB2_1-.Ltmp0, $4  }
0x192: {  	[hbm4b:s30+s2] =	stream.linear.scatter [tilespmem:s31], [sflag:$0x4], $0x800, $0x38;
	[tilespmem:$0x1D080] =	vst v63  }
0x193: {  	_ =	swait.ge [sflag:s23], $0x800  }
0x194: {  	[sflag:s23] =	ssyncset.done $0x0  }
0x195: {  	s3 =	sadd.s32 $0xFFFFFFFF, s3;
	[sflag:s23] =	ssyncadd.s32 $0xFFFFF800  }
0x196: {  	_ =	sfence.sel $0x180000  }
0x197: {  	[bflag:$0x0] =	sbarrier.arrive $0xFFFF  }
0x198: {  	p0 =	sne.s32 s0, $0x0;
	_ =	strace $0x90000047  }
0x199: {  	s0 =	sadd.s32 @!p0 $0x100000, s1;
	[bflag:$0x2] =	sbarrier.arrive $0xFFFF  }
0x19a: {  	[sflag:s0] =	ssyncadd.tile.s32 @!p0 $0x1;
	_ =	shalt  }
.Lfunc_end2:
_tile_overlayer_lowered:
.L_overlay_start_2:
0x19b: {  	(tag) =	ssettag $0x2  }
0x19c: {  	s0 =	rddreg [dreg:$0x0];
	s2 =	stileid.u32  }
0x19d: {  	s1 =	rddreg [dreg:$0x1];
	p0 =	sne.s32 s2, $0x0  }
0x19e: {  	s3 =	rddreg [dreg:$0x2];
	[bflag:$0x3] =	sbarrier.arrive $0xFFFF;
	s2 =	simm.s32 @!p0 $0x1C04  }
0x19f: {  	[timem:s3], [sflag:s2] =	dma.local @!p0 [hbm:s0], s1  }
0x1a0: {  	s0 =	simm.s32 @!p0 $0x4  }
0x1a1: {  	_ =	swait.ge @!p0 [sflag:s0], s1  }
0x1a2: {  	s1 =	ssub.s32 @!p0 $0x0, s1;
	[sflag:s0] =	ssyncset.done @!p0 $0x0  }
0x1a3: {  	[sflag:s0] =	ssyncadd.s32 @!p0 s1  }
0x1a4: {  	[bflag:$0x3] =	sbarrier.arrive $0xFFFF  }
0x1a5: {  	_ =	shalt  }

</sc_bundles>
